<compile_context>
chip_gen: v7x
topology: tpu7x:2x2x1
jax: 0.10.2.dev20260603
libtpu: 0.0.44.dev20260713+nightly
codegen_flags: <defaults>
</compile_context>

<pallas_src>
import functools

import jax
import jax.numpy as jnp
from jax import lax
from jax.experimental import pallas as pl
from jax.experimental.pallas import tpu as pltpu
from jax.experimental.pallas import tpu_sc as plsc

_NC = 2
_NS = 16
_NW = _NC * _NS
_L = 16


def _sqrt_pos(t):
    bits = lax.bitcast_convert_type(t, jnp.int32)
    y = lax.bitcast_convert_type(
        jnp.int32(0x5F3759DF) - lax.shift_right_logical(bits, 1), jnp.float32)
    for _ in range(3):
        y = y * (1.5 - 0.5 * t * y * y)
    return jnp.where(t > 0, t * y, 0.0)


def _log(y):
    bits = lax.bitcast_convert_type(y, jnp.int32)
    e = lax.shift_right_logical(bits, 23) - 127
    m = lax.bitcast_convert_type(
        jnp.bitwise_or(jnp.bitwise_and(bits, 0x007FFFFF), 0x3F800000), jnp.float32)
    big = m > 1.4142135
    m = jnp.where(big, 0.5 * m, m)
    ef = (e + jnp.where(big, 1, 0)).astype(jnp.float32)
    z = (m - 1.0) / (m + 1.0)
    z2 = z * z
    p = z * (2.0 + z2 * (2.0 / 3.0 + z2 * (2.0 / 5.0 + z2 * (2.0 / 7.0 + z2 * (2.0 / 9.0)))))
    return ef * 0.69314718 + p


def _sc_partials(i0, i1, values, wflat, d_stride, d_dim):
    B = i0.shape[0]
    D = d_dim
    bpw = B // _NW
    G = bpw // _L
    mesh = plsc.VectorSubcoreMesh(core_axis_name="c", subcore_axis_name="s")

    @functools.partial(
        pl.kernel,
        out_type=jax.ShapeDtypeStruct((_NW, _L), jnp.float32),
        mesh=mesh,
        compiler_params=pltpu.CompilerParams(
            needs_layout_passes=False, use_tc_tiling_on_sc=False),
        scratch_types=[
            pltpu.VMEM((bpw,), jnp.int32),
            pltpu.VMEM((bpw,), jnp.int32),
            pltpu.VMEM((bpw,), jnp.float32),
            pltpu.VMEM((bpw * D,), jnp.int32),
            pltpu.VMEM((bpw * D,), jnp.int32),
            pltpu.VMEM((bpw * D,), jnp.float32),
            pltpu.VMEM((bpw * D,), jnp.float32),
            pltpu.VMEM((_L,), jnp.float32),
            pltpu.SemaphoreType.DMA,
            pltpu.SemaphoreType.DMA,
        ],
    )
    def body(i0_hbm, i1_hbm, vals_hbm, w_hbm, out_hbm,
             i0_v, i1_v, vals_v, li_u, li_v, gu, gv, acc_v, s0, s1):
        wid = lax.axis_index("s") * _NC + lax.axis_index("c")
        base = wid * bpw
        pltpu.sync_copy(i0_hbm.at[pl.ds(base, bpw)], i0_v)
        pltpu.sync_copy(i1_hbm.at[pl.ds(base, bpw)], i1_v)
        pltpu.sync_copy(vals_hbm.at[pl.ds(base, bpw)], vals_v)

        def build(g, _):
            r0 = i0_v[pl.ds(g * _L, _L)]
            r1 = i1_v[pl.ds(g * _L, _L)]
            for d in range(D):
                off = jnp.int32(d * d_stride)
                li_u[pl.ds(d * bpw + g * _L, _L)] = r0 + off
                li_v[pl.ds(d * bpw + g * _L, _L)] = r1 + off
            return 0

        lax.fori_loop(0, G, build, 0)

        cp0 = pltpu.async_copy(w_hbm.at[li_u], gu, s0)
        cp1 = pltpu.async_copy(w_hbm.at[li_v], gv, s1)
        cp0.wait()
        cp1.wait()

        zero = jnp.zeros((_L,), jnp.float32)

        def g_body(g, acc):
            su = zero
            sv = zero
            sd = zero
            for d in range(D):
                u = gu[pl.ds(d * bpw + g * _L, _L)]
                v = gv[pl.ds(d * bpw + g * _L, _L)]
                su = su + u * u
                sv = sv + v * v
                du = u - v
                sd = sd + du * du
            vals = vals_v[pl.ds(g * _L, _L)]
            x = 1.0 + (2.0 * sd) / ((1.0 - su) * (1.0 - sv))
            dist = _log(x + _sqrt_pos(x * x - 1.0))
            q = dist / vals - 1.0
            return acc + jnp.exp(2.0 * (1.0 - vals)) * q * q

        acc_v[...] = lax.fori_loop(0, G, g_body, zero)
        pltpu.sync_copy(acc_v, out_hbm.at[wid])

    return body(i0, i1, values, wflat)


def _tc_rowmajor(wt, n_rows, d_dim, n_chunk):
    n_blocks = -(-n_rows // n_chunk)
    n_pad = n_blocks * n_chunk

    def t_body(in_ref, o_ref):
        o_ref[...] = in_ref[...].reshape(d_dim, n_chunk // 128, 128)

    out = pl.pallas_call(
        t_body,
        grid=(n_blocks,),
        in_specs=[pl.BlockSpec((d_dim, n_chunk), lambda i: (0, i))],
        out_specs=pl.BlockSpec((d_dim, n_chunk // 128, 128), lambda i: (0, i, 0)),
        out_shape=jax.ShapeDtypeStruct((d_dim, n_pad // 128, 128), jnp.float32),
    )(wt)
    return out.reshape(d_dim * n_pad), n_pad


def _tc_sum(partials, inv_pairs):
    def sum_body(x_ref, o_ref):
        o_ref[0, 0] = jnp.sum(x_ref[...]) * inv_pairs

    out = pl.pallas_call(
        sum_body,
        out_shape=jax.ShapeDtypeStruct((1, 1), jnp.float32),
        out_specs=pl.BlockSpec(memory_space=pltpu.SMEM),
    )(partials)
    return out[0, 0]


def kernel(idx, values, w, scale):
    del scale
    N, D = w.shape
    i0 = idx[:, 0].astype(jnp.int32)
    i1 = idx[:, 1].astype(jnp.int32)
    wt = jnp.swapaxes(w, 0, 1)
    wflat, n_pad = _tc_rowmajor(wt, N, D, 32768)
    partials = _sc_partials(i0, i1, values, wflat, n_pad, D)
    inv_pairs = 2.0 / (float(N) * float(N - 1))
    return _tc_sum(partials, inv_pairs)

# --- scband reference (transcript-rebuilt; emitter-appended) ---
"""Pipeline reference for scband-hyperbolic-emb-1803886265744 (READ-ONLY COPY).

The authoritative reference and input builder live on the scoring server;
editing this copy changes nothing except your own understanding.
"""

import jax, jax.numpy as jnp
import numpy as np

N = 1000000
D = 32
B = 16384
LO_SCALE = -0.99
HI_SCALE = 10.0
LEARN_SCALE = False
ABSOLUTE_LOSS = False


def h_proj(x, eps=1e-05):
    norms = jnp.linalg.norm(x, ord=2, axis=-1)
    modified = jnp.where(norms < 1.0, 1.0, 1.0 / ((1.0 + eps) * norms))
    return x * modified[..., None]


def _acosh(x):
    return jnp.log(x + jnp.sqrt(x ** 2 - 1.0))


def _dist(u, v):
    z = 2.0 * jnp.linalg.norm(u - v, ord=2, axis=1) ** 2
    uu = 1.0 + z / ((1.0 - jnp.linalg.norm(u, ord=2, axis=1) ** 2) * (1.0 - jnp.linalg.norm(v, ord=2, axis=1) ** 2))
    return _acosh(uu)


def setup_inputs(seed: int = 0) -> dict:
    key = jax.random.key(seed)
    k1, k2, k3 = jax.random.split(key, 3)
    idx = jax.random.randint(k1, (B, 2), 0, N)
    # avoid i==j pairs (dist gradient singular at coincident points)
    same = idx[:, 0] == idx[:, 1]
    idx = idx.at[:, 1].set(jnp.where(same, (idx[:, 1] + 1) % N, idx[:, 1]))
    values = jax.random.uniform(k2, (B,), dtype=jnp.float32)
    # learned embedding table, initialized exactly like the torch module:
    # h_proj(0.001 * rand(n, d))
    w = h_proj(0.001 * jax.random.uniform(k3, (N, D), dtype=jnp.float32))
    scale = jnp.zeros((1,), dtype=jnp.float32)
    return {"idx": idx, "values": values, "w": w, "scale": scale}


def reference(idx, values, w, scale):
    # Hyperbolic_Emb.loss((idx, values)) with project=True, learn_scale=False,
    # absolute_loss=False, exponential_rescale=True
    wi = jnp.take(w, idx[:, 0], axis=0)
    wj = jnp.take(w, idx[:, 1], axis=0)
    _scale = 1.0 + jnp.clip(scale, LO_SCALE, HI_SCALE)  # computed but unused (learn_scale=False)
    term_rescale = jnp.exp(2.0 * (1.0 - values))
    pairs = N * (N - 1) / 2.0
    _s = _scale if LEARN_SCALE else 1.0
    loss = jnp.sum(term_rescale * _s * (_dist(wi, wj) / values - 1.0) ** 2 / pairs)
    return loss

if __name__ == "__main__":
    import jax
    _d = setup_inputs()
    print(jax.jit(kernel)(*tuple(_d.values())))

</pallas_src>

<mosaic_0001>
#map = affine_map<(d0, d1) -> (0)>
#map1 = affine_map<(d0, d1) -> (0, 0)>
module attributes {stable_mosaic.version = 14 : i64} {
  func.func @body(%arg0: i32, %arg1: i32, %arg2: memref<16384xi32, #tpu.memory_space<hbm>>, %arg3: memref<16384xi32, #tpu.memory_space<hbm>>, %arg4: memref<16384xf32, #tpu.memory_space<hbm>>, %arg5: memref<32505856xf32, #tpu.memory_space<hbm>>, %arg6: memref<32x16xf32, #tpu.memory_space<hbm>>, %arg7: memref<512xi32, #tpu.memory_space<vmem>>, %arg8: memref<512xi32, #tpu.memory_space<vmem>>, %arg9: memref<512xf32, #tpu.memory_space<vmem>>, %arg10: memref<16384xi32, #tpu.memory_space<vmem>>, %arg11: memref<16384xi32, #tpu.memory_space<vmem>>, %arg12: memref<16384xf32, #tpu.memory_space<vmem>>, %arg13: memref<16384xf32, #tpu.memory_space<vmem>>, %arg14: memref<16xf32, #tpu.memory_space<vmem>>, %arg15: memref<!tpu.dma_semaphore, #tpu.memory_space<semaphore_mem>>, %arg16: memref<!tpu.dma_semaphore, #tpu.memory_space<semaphore_mem>>) attributes {dimension_semantics = [#tpu.dimension_semantics<core_parallel>, #tpu.dimension_semantics<subcore_parallel>], iteration_bounds = array<i64: 2, 16>, scalar_prefetch = 0 : i64, scratch_operands = 10 : i64, tpu.core_type = #tpu.core_type<sc_vector_subcore>, window_params = [{transform_indices = #map}, {transform_indices = #map}, {transform_indices = #map}, {transform_indices = #map}, {transform_indices = #map1}]} {
    %mul3A = arith.constant 2 : i32
    %mul3A_0 = arith.muli %arg1, %mul3A : i32
    %add3A = arith.addi %mul3A_0, %arg0 : i32
    %mul3A_1 = arith.constant 512 : i32
    %mul3A_2 = arith.muli %add3A, %mul3A_1 : i32
    "tpu.region"() ({
      %run_scoped3A = tpu.sem_alloc : memref<!tpu.dma_semaphore, #tpu.memory_space<semaphore_mem>>
      %dma_start3A_23 = tpu.memref_slice %arg2[%mul3A_2] : memref<16384xi32, #tpu.memory_space<hbm>> -> memref<512xi32, #tpu.memory_space<hbm>>
      %dma_start3A_24 = tpu.memref_slice %arg2[%mul3A_2] : memref<16384xi32, #tpu.memory_space<hbm>> -> memref<512xi32, #tpu.memory_space<hbm>>
      tpu.enqueue_dma source(%dma_start3A_24 : memref<512xi32, #tpu.memory_space<hbm>>) target(%arg7 : memref<512xi32, #tpu.memory_space<vmem>>) target_semaphore(%run_scoped3A : memref<!tpu.dma_semaphore, #tpu.memory_space<semaphore_mem>>)
      %dma_wait3A_25 = tpu.memref_slice %arg2[%mul3A_2] : memref<16384xi32, #tpu.memory_space<hbm>> -> memref<512xi32, #tpu.memory_space<hbm>>
      %dma_wait3A_26 = tpu.memref_slice %arg2[%mul3A_2] : memref<16384xi32, #tpu.memory_space<hbm>> -> memref<512xi32, #tpu.memory_space<hbm>>
      tpu.wait_dma2 semaphore(%run_scoped3A : memref<!tpu.dma_semaphore, #tpu.memory_space<semaphore_mem>>) src(%dma_wait3A_26 : memref<512xi32, #tpu.memory_space<hbm>>) dst(%arg7 : memref<512xi32, #tpu.memory_space<vmem>>)
      tpu.yield
    }) : () -> ()
    "tpu.region"() ({
      %run_scoped3A = tpu.sem_alloc : memref<!tpu.dma_semaphore, #tpu.memory_space<semaphore_mem>>
      %dma_start3A_23 = tpu.memref_slice %arg3[%mul3A_2] : memref<16384xi32, #tpu.memory_space<hbm>> -> memref<512xi32, #tpu.memory_space<hbm>>
      %dma_start3A_24 = tpu.memref_slice %arg3[%mul3A_2] : memref<16384xi32, #tpu.memory_space<hbm>> -> memref<512xi32, #tpu.memory_space<hbm>>
      tpu.enqueue_dma source(%dma_start3A_24 : memref<512xi32, #tpu.memory_space<hbm>>) target(%arg8 : memref<512xi32, #tpu.memory_space<vmem>>) target_semaphore(%run_scoped3A : memref<!tpu.dma_semaphore, #tpu.memory_space<semaphore_mem>>)
      %dma_wait3A_25 = tpu.memref_slice %arg3[%mul3A_2] : memref<16384xi32, #tpu.memory_space<hbm>> -> memref<512xi32, #tpu.memory_space<hbm>>
      %dma_wait3A_26 = tpu.memref_slice %arg3[%mul3A_2] : memref<16384xi32, #tpu.memory_space<hbm>> -> memref<512xi32, #tpu.memory_space<hbm>>
      tpu.wait_dma2 semaphore(%run_scoped3A : memref<!tpu.dma_semaphore, #tpu.memory_space<semaphore_mem>>) src(%dma_wait3A_26 : memref<512xi32, #tpu.memory_space<hbm>>) dst(%arg8 : memref<512xi32, #tpu.memory_space<vmem>>)
      tpu.yield
    }) : () -> ()
    "tpu.region"() ({
      %run_scoped3A = tpu.sem_alloc : memref<!tpu.dma_semaphore, #tpu.memory_space<semaphore_mem>>
      %dma_start3A_23 = tpu.memref_slice %arg4[%mul3A_2] : memref<16384xf32, #tpu.memory_space<hbm>> -> memref<512xf32, #tpu.memory_space<hbm>>
      %dma_start3A_24 = tpu.memref_slice %arg4[%mul3A_2] : memref<16384xf32, #tpu.memory_space<hbm>> -> memref<512xf32, #tpu.memory_space<hbm>>
      tpu.enqueue_dma source(%dma_start3A_24 : memref<512xf32, #tpu.memory_space<hbm>>) target(%arg9 : memref<512xf32, #tpu.memory_space<vmem>>) target_semaphore(%run_scoped3A : memref<!tpu.dma_semaphore, #tpu.memory_space<semaphore_mem>>)
      %dma_wait3A_25 = tpu.memref_slice %arg4[%mul3A_2] : memref<16384xf32, #tpu.memory_space<hbm>> -> memref<512xf32, #tpu.memory_space<hbm>>
      %dma_wait3A_26 = tpu.memref_slice %arg4[%mul3A_2] : memref<16384xf32, #tpu.memory_space<hbm>> -> memref<512xf32, #tpu.memory_space<hbm>>
      tpu.wait_dma2 semaphore(%run_scoped3A : memref<!tpu.dma_semaphore, #tpu.memory_space<semaphore_mem>>) src(%dma_wait3A_26 : memref<512xf32, #tpu.memory_space<hbm>>) dst(%arg9 : memref<512xf32, #tpu.memory_space<vmem>>)
      tpu.yield
    }) : () -> ()
    %scan3A = arith.constant 0 : i32
    %scan3A_3 = arith.constant 0 : i32
    %scan3A_4 = arith.constant 32 : i32
    %scan3A_5 = arith.addi %scan3A_3, %scan3A_4 : i32
    %scan3A_6 = arith.constant 1 : i32
    %scan3A_7 = scf.for %scan3A_23 = %scan3A_3 to %scan3A_5 step %scan3A_6 iter_args(%scan3A_24 = %scan3A) -> (i32)  : i32 {
      %mul3A_25 = arith.constant 16 : i32
      %mul3A_26 = arith.muli %scan3A_23, %mul3A_25 : i32
      %get3A = arith.index_cast %mul3A_26 : i32 to index
      %get3A_27 = tpu.vector_load %arg7[%get3A] {strides = array<i32>} : memref<512xi32, #tpu.memory_space<vmem>>, vector<16xi32>,
      %mul3A_28 = arith.constant 16 : i32
      %mul3A_29 = arith.muli %scan3A_23, %mul3A_28 : i32
      %get3A_30 = arith.index_cast %mul3A_29 : i32 to index
      %get3A_31 = tpu.vector_load %arg8[%get3A_30] {strides = array<i32>} : memref<512xi32, #tpu.memory_space<vmem>>, vector<16xi32>,
      %add3A_32 = arith.constant 0 : i32
      %add3A_33 = vector.broadcast %add3A_32 : i32 to vector<16xi32>
      %add3A_34 = arith.addi %get3A_27, %add3A_33 : vector<16xi32>
      %mul3A_35 = arith.constant 16 : i32
      %mul3A_36 = arith.muli %scan3A_23, %mul3A_35 : i32
      %add3A_37 = arith.constant 0 : i32
      %add3A_38 = arith.addi %add3A_37, %mul3A_36 : i32
      %swap3A_39 = arith.index_cast %add3A_38 : i32 to index
      %swap3A_40 = tpu.vector_load %arg10[%swap3A_39] {strides = array<i32>} : memref<16384xi32, #tpu.memory_space<vmem>>, vector<16xi32>,
      tpu.vector_store %arg10[%swap3A_39], %add3A_34 {strides = array<i32>} : memref<16384xi32, #tpu.memory_space<vmem>>, vector<16xi32>,
      %add3A_41 = arith.constant 0 : i32
      %add3A_42 = vector.broadcast %add3A_41 : i32 to vector<16xi32>
      %add3A_43 = arith.addi %get3A_31, %add3A_42 : vector<16xi32>
      %mul3A_44 = arith.constant 16 : i32
      %mul3A_45 = arith.muli %scan3A_23, %mul3A_44 : i32
      %add3A_46 = arith.constant 0 : i32
      %add3A_47 = arith.addi %add3A_46, %mul3A_45 : i32
      %swap3A_48 = arith.index_cast %add3A_47 : i32 to index
      %swap3A_49 = tpu.vector_load %arg11[%swap3A_48] {strides = array<i32>} : memref<16384xi32, #tpu.memory_space<vmem>>, vector<16xi32>,
      tpu.vector_store %arg11[%swap3A_48], %add3A_43 {strides = array<i32>} : memref<16384xi32, #tpu.memory_space<vmem>>, vector<16xi32>,
      %add3A_50 = arith.constant 1015808 : i32
      %add3A_51 = vector.broadcast %add3A_50 : i32 to vector<16xi32>
      %add3A_52 = arith.addi %get3A_27, %add3A_51 : vector<16xi32>
      %mul3A_53 = arith.constant 16 : i32
      %mul3A_54 = arith.muli %scan3A_23, %mul3A_53 : i32
      %add3A_55 = arith.constant 512 : i32
      %add3A_56 = arith.addi %add3A_55, %mul3A_54 : i32
      %swap3A_57 = arith.index_cast %add3A_56 : i32 to index
      %swap3A_58 = tpu.vector_load %arg10[%swap3A_57] {strides = array<i32>} : memref<16384xi32, #tpu.memory_space<vmem>>, vector<16xi32>,
      tpu.vector_store %arg10[%swap3A_57], %add3A_52 {strides = array<i32>} : memref<16384xi32, #tpu.memory_space<vmem>>, vector<16xi32>,
      %add3A_59 = arith.constant 1015808 : i32
      %add3A_60 = vector.broadcast %add3A_59 : i32 to vector<16xi32>
      %add3A_61 = arith.addi %get3A_31, %add3A_60 : vector<16xi32>
      %mul3A_62 = arith.constant 16 : i32
      %mul3A_63 = arith.muli %scan3A_23, %mul3A_62 : i32
      %add3A_64 = arith.constant 512 : i32
      %add3A_65 = arith.addi %add3A_64, %mul3A_63 : i32
      %swap3A_66 = arith.index_cast %add3A_65 : i32 to index
      %swap3A_67 = tpu.vector_load %arg11[%swap3A_66] {strides = array<i32>} : memref<16384xi32, #tpu.memory_space<vmem>>, vector<16xi32>,
      tpu.vector_store %arg11[%swap3A_66], %add3A_61 {strides = array<i32>} : memref<16384xi32, #tpu.memory_space<vmem>>, vector<16xi32>,
      %add3A_68 = arith.constant 2031616 : i32
      %add3A_69 = vector.broadcast %add3A_68 : i32 to vector<16xi32>
      %add3A_70 = arith.addi %get3A_27, %add3A_69 : vector<16xi32>
      %mul3A_71 = arith.constant 16 : i32
      %mul3A_72 = arith.muli %scan3A_23, %mul3A_71 : i32
      %add3A_73 = arith.constant 1024 : i32
      %add3A_74 = arith.addi %add3A_73, %mul3A_72 : i32
      %swap3A_75 = arith.index_cast %add3A_74 : i32 to index
      %swap3A_76 = tpu.vector_load %arg10[%swap3A_75] {strides = array<i32>} : memref<16384xi32, #tpu.memory_space<vmem>>, vector<16xi32>,
      tpu.vector_store %arg10[%swap3A_75], %add3A_70 {strides = array<i32>} : memref<16384xi32, #tpu.memory_space<vmem>>, vector<16xi32>,
      %add3A_77 = arith.constant 2031616 : i32
      %add3A_78 = vector.broadcast %add3A_77 : i32 to vector<16xi32>
      %add3A_79 = arith.addi %get3A_31, %add3A_78 : vector<16xi32>
      %mul3A_80 = arith.constant 16 : i32
      %mul3A_81 = arith.muli %scan3A_23, %mul3A_80 : i32
      %add3A_82 = arith.constant 1024 : i32
      %add3A_83 = arith.addi %add3A_82, %mul3A_81 : i32
      %swap3A_84 = arith.index_cast %add3A_83 : i32 to index
      %swap3A_85 = tpu.vector_load %arg11[%swap3A_84] {strides = array<i32>} : memref<16384xi32, #tpu.memory_space<vmem>>, vector<16xi32>,
      tpu.vector_store %arg11[%swap3A_84], %add3A_79 {strides = array<i32>} : memref<16384xi32, #tpu.memory_space<vmem>>, vector<16xi32>,
      %add3A_86 = arith.constant 3047424 : i32
      %add3A_87 = vector.broadcast %add3A_86 : i32 to vector<16xi32>
      %add3A_88 = arith.addi %get3A_27, %add3A_87 : vector<16xi32>
      %mul3A_89 = arith.constant 16 : i32
      %mul3A_90 = arith.muli %scan3A_23, %mul3A_89 : i32
      %add3A_91 = arith.constant 1536 : i32
      %add3A_92 = arith.addi %add3A_91, %mul3A_90 : i32
      %swap3A_93 = arith.index_cast %add3A_92 : i32 to index
      %swap3A_94 = tpu.vector_load %arg10[%swap3A_93] {strides = array<i32>} : memref<16384xi32, #tpu.memory_space<vmem>>, vector<16xi32>,
      tpu.vector_store %arg10[%swap3A_93], %add3A_88 {strides = array<i32>} : memref<16384xi32, #tpu.memory_space<vmem>>, vector<16xi32>,
      %add3A_95 = arith.constant 3047424 : i32
      %add3A_96 = vector.broadcast %add3A_95 : i32 to vector<16xi32>
      %add3A_97 = arith.addi %get3A_31, %add3A_96 : vector<16xi32>
      %mul3A_98 = arith.constant 16 : i32
      %mul3A_99 = arith.muli %scan3A_23, %mul3A_98 : i32
      %add3A_100 = arith.constant 1536 : i32
      %add3A_101 = arith.addi %add3A_100, %mul3A_99 : i32
      %swap3A_102 = arith.index_cast %add3A_101 : i32 to index
      %swap3A_103 = tpu.vector_load %arg11[%swap3A_102] {strides = array<i32>} : memref<16384xi32, #tpu.memory_space<vmem>>, vector<16xi32>,
      tpu.vector_store %arg11[%swap3A_102], %add3A_97 {strides = array<i32>} : memref<16384xi32, #tpu.memory_space<vmem>>, vector<16xi32>,
      %add3A_104 = arith.constant 4063232 : i32
      %add3A_105 = vector.broadcast %add3A_104 : i32 to vector<16xi32>
      %add3A_106 = arith.addi %get3A_27, %add3A_105 : vector<16xi32>
      %mul3A_107 = arith.constant 16 : i32
      %mul3A_108 = arith.muli %scan3A_23, %mul3A_107 : i32
      %add3A_109 = arith.constant 2048 : i32
      %add3A_110 = arith.addi %add3A_109, %mul3A_108 : i32
      %swap3A_111 = arith.index_cast %add3A_110 : i32 to index
      %swap3A_112 = tpu.vector_load %arg10[%swap3A_111] {strides = array<i32>} : memref<16384xi32, #tpu.memory_space<vmem>>, vector<16xi32>,
      tpu.vector_store %arg10[%swap3A_111], %add3A_106 {strides = array<i32>} : memref<16384xi32, #tpu.memory_space<vmem>>, vector<16xi32>,
      %add3A_113 = arith.constant 4063232 : i32
      %add3A_114 = vector.broadcast %add3A_113 : i32 to vector<16xi32>
      %add3A_115 = arith.addi %get3A_31, %add3A_114 : vector<16xi32>
      %mul3A_116 = arith.constant 16 : i32
      %mul3A_117 = arith.muli %scan3A_23, %mul3A_116 : i32
      %add3A_118 = arith.constant 2048 : i32
      %add3A_119 = arith.addi %add3A_118, %mul3A_117 : i32
      %swap3A_120 = arith.index_cast %add3A_119 : i32 to index
      %swap3A_121 = tpu.vector_load %arg11[%swap3A_120] {strides = array<i32>} : memref<16384xi32, #tpu.memory_space<vmem>>, vector<16xi32>,
      tpu.vector_store %arg11[%swap3A_120], %add3A_115 {strides = array<i32>} : memref<16384xi32, #tpu.memory_space<vmem>>, vector<16xi32>,
      %add3A_122 = arith.constant 5079040 : i32
      %add3A_123 = vector.broadcast %add3A_122 : i32 to vector<16xi32>
      %add3A_124 = arith.addi %get3A_27, %add3A_123 : vector<16xi32>
      %mul3A_125 = arith.constant 16 : i32
      %mul3A_126 = arith.muli %scan3A_23, %mul3A_125 : i32
      %add3A_127 = arith.constant 2560 : i32
      %add3A_128 = arith.addi %add3A_127, %mul3A_126 : i32
      %swap3A_129 = arith.index_cast %add3A_128 : i32 to index
      %swap3A_130 = tpu.vector_load %arg10[%swap3A_129] {strides = array<i32>} : memref<16384xi32, #tpu.memory_space<vmem>>, vector<16xi32>,
      tpu.vector_store %arg10[%swap3A_129], %add3A_124 {strides = array<i32>} : memref<16384xi32, #tpu.memory_space<vmem>>, vector<16xi32>,
      %add3A_131 = arith.constant 5079040 : i32
      %add3A_132 = vector.broadcast %add3A_131 : i32 to vector<16xi32>
      %add3A_133 = arith.addi %get3A_31, %add3A_132 : vector<16xi32>
      %mul3A_134 = arith.constant 16 : i32
      %mul3A_135 = arith.muli %scan3A_23, %mul3A_134 : i32
      %add3A_136 = arith.constant 2560 : i32
      %add3A_137 = arith.addi %add3A_136, %mul3A_135 : i32
      %swap3A_138 = arith.index_cast %add3A_137 : i32 to index
      %swap3A_139 = tpu.vector_load %arg11[%swap3A_138] {strides = array<i32>} : memref<16384xi32, #tpu.memory_space<vmem>>, vector<16xi32>,
      tpu.vector_store %arg11[%swap3A_138], %add3A_133 {strides = array<i32>} : memref<16384xi32, #tpu.memory_space<vmem>>, vector<16xi32>,
      %add3A_140 = arith.constant 6094848 : i32
      %add3A_141 = vector.broadcast %add3A_140 : i32 to vector<16xi32>
      %add3A_142 = arith.addi %get3A_27, %add3A_141 : vector<16xi32>
      %mul3A_143 = arith.constant 16 : i32
      %mul3A_144 = arith.muli %scan3A_23, %mul3A_143 : i32
      %add3A_145 = arith.constant 3072 : i32
      %add3A_146 = arith.addi %add3A_145, %mul3A_144 : i32
      %swap3A_147 = arith.index_cast %add3A_146 : i32 to index
      %swap3A_148 = tpu.vector_load %arg10[%swap3A_147] {strides = array<i32>} : memref<16384xi32, #tpu.memory_space<vmem>>, vector<16xi32>,
      tpu.vector_store %arg10[%swap3A_147], %add3A_142 {strides = array<i32>} : memref<16384xi32, #tpu.memory_space<vmem>>, vector<16xi32>,
      %add3A_149 = arith.constant 6094848 : i32
      %add3A_150 = vector.broadcast %add3A_149 : i32 to vector<16xi32>
      %add3A_151 = arith.addi %get3A_31, %add3A_150 : vector<16xi32>
      %mul3A_152 = arith.constant 16 : i32
      %mul3A_153 = arith.muli %scan3A_23, %mul3A_152 : i32
      %add3A_154 = arith.constant 3072 : i32
      %add3A_155 = arith.addi %add3A_154, %mul3A_153 : i32
      %swap3A_156 = arith.index_cast %add3A_155 : i32 to index
      %swap3A_157 = tpu.vector_load %arg11[%swap3A_156] {strides = array<i32>} : memref<16384xi32, #tpu.memory_space<vmem>>, vector<16xi32>,
      tpu.vector_store %arg11[%swap3A_156], %add3A_151 {strides = array<i32>} : memref<16384xi32, #tpu.memory_space<vmem>>, vector<16xi32>,
      %add3A_158 = arith.constant 7110656 : i32
      %add3A_159 = vector.broadcast %add3A_158 : i32 to vector<16xi32>
      %add3A_160 = arith.addi %get3A_27, %add3A_159 : vector<16xi32>
      %mul3A_161 = arith.constant 16 : i32
      %mul3A_162 = arith.muli %scan3A_23, %mul3A_161 : i32
      %add3A_163 = arith.constant 3584 : i32
      %add3A_164 = arith.addi %add3A_163, %mul3A_162 : i32
      %swap3A_165 = arith.index_cast %add3A_164 : i32 to index
      %swap3A_166 = tpu.vector_load %arg10[%swap3A_165] {strides = array<i32>} : memref<16384xi32, #tpu.memory_space<vmem>>, vector<16xi32>,
      tpu.vector_store %arg10[%swap3A_165], %add3A_160 {strides = array<i32>} : memref<16384xi32, #tpu.memory_space<vmem>>, vector<16xi32>,
      %add3A_167 = arith.constant 7110656 : i32
      %add3A_168 = vector.broadcast %add3A_167 : i32 to vector<16xi32>
      %add3A_169 = arith.addi %get3A_31, %add3A_168 : vector<16xi32>
      %mul3A_170 = arith.constant 16 : i32
      %mul3A_171 = arith.muli %scan3A_23, %mul3A_170 : i32
      %add3A_172 = arith.constant 3584 : i32
      %add3A_173 = arith.addi %add3A_172, %mul3A_171 : i32
      %swap3A_174 = arith.index_cast %add3A_173 : i32 to index
      %swap3A_175 = tpu.vector_load %arg11[%swap3A_174] {strides = array<i32>} : memref<16384xi32, #tpu.memory_space<vmem>>, vector<16xi32>,
      tpu.vector_store %arg11[%swap3A_174], %add3A_169 {strides = array<i32>} : memref<16384xi32, #tpu.memory_space<vmem>>, vector<16xi32>,
      %add3A_176 = arith.constant 8126464 : i32
      %add3A_177 = vector.broadcast %add3A_176 : i32 to vector<16xi32>
      %add3A_178 = arith.addi %get3A_27, %add3A_177 : vector<16xi32>
      %mul3A_179 = arith.constant 16 : i32
      %mul3A_180 = arith.muli %scan3A_23, %mul3A_179 : i32
      %add3A_181 = arith.constant 4096 : i32
      %add3A_182 = arith.addi %add3A_181, %mul3A_180 : i32
      %swap3A_183 = arith.index_cast %add3A_182 : i32 to index
      %swap3A_184 = tpu.vector_load %arg10[%swap3A_183] {strides = array<i32>} : memref<16384xi32, #tpu.memory_space<vmem>>, vector<16xi32>,
      tpu.vector_store %arg10[%swap3A_183], %add3A_178 {strides = array<i32>} : memref<16384xi32, #tpu.memory_space<vmem>>, vector<16xi32>,
      %add3A_185 = arith.constant 8126464 : i32
      %add3A_186 = vector.broadcast %add3A_185 : i32 to vector<16xi32>
      %add3A_187 = arith.addi %get3A_31, %add3A_186 : vector<16xi32>
      %mul3A_188 = arith.constant 16 : i32
      %mul3A_189 = arith.muli %scan3A_23, %mul3A_188 : i32
      %add3A_190 = arith.constant 4096 : i32
      %add3A_191 = arith.addi %add3A_190, %mul3A_189 : i32
      %swap3A_192 = arith.index_cast %add3A_191 : i32 to index
      %swap3A_193 = tpu.vector_load %arg11[%swap3A_192] {strides = array<i32>} : memref<16384xi32, #tpu.memory_space<vmem>>, vector<16xi32>,
      tpu.vector_store %arg11[%swap3A_192], %add3A_187 {strides = array<i32>} : memref<16384xi32, #tpu.memory_space<vmem>>, vector<16xi32>,
      %add3A_194 = arith.constant 9142272 : i32
      %add3A_195 = vector.broadcast %add3A_194 : i32 to vector<16xi32>
      %add3A_196 = arith.addi %get3A_27, %add3A_195 : vector<16xi32>
      %mul3A_197 = arith.constant 16 : i32
      %mul3A_198 = arith.muli %scan3A_23, %mul3A_197 : i32
      %add3A_199 = arith.constant 4608 : i32
      %add3A_200 = arith.addi %add3A_199, %mul3A_198 : i32
      %swap3A_201 = arith.index_cast %add3A_200 : i32 to index
      %swap3A_202 = tpu.vector_load %arg10[%swap3A_201] {strides = array<i32>} : memref<16384xi32, #tpu.memory_space<vmem>>, vector<16xi32>,
      tpu.vector_store %arg10[%swap3A_201], %add3A_196 {strides = array<i32>} : memref<16384xi32, #tpu.memory_space<vmem>>, vector<16xi32>,
      %add3A_203 = arith.constant 9142272 : i32
      %add3A_204 = vector.broadcast %add3A_203 : i32 to vector<16xi32>
      %add3A_205 = arith.addi %get3A_31, %add3A_204 : vector<16xi32>
      %mul3A_206 = arith.constant 16 : i32
      %mul3A_207 = arith.muli %scan3A_23, %mul3A_206 : i32
      %add3A_208 = arith.constant 4608 : i32
      %add3A_209 = arith.addi %add3A_208, %mul3A_207 : i32
      %swap3A_210 = arith.index_cast %add3A_209 : i32 to index
      %swap3A_211 = tpu.vector_load %arg11[%swap3A_210] {strides = array<i32>} : memref<16384xi32, #tpu.memory_space<vmem>>, vector<16xi32>,
      tpu.vector_store %arg11[%swap3A_210], %add3A_205 {strides = array<i32>} : memref<16384xi32, #tpu.memory_space<vmem>>, vector<16xi32>,
      %add3A_212 = arith.constant 10158080 : i32
      %add3A_213 = vector.broadcast %add3A_212 : i32 to vector<16xi32>
      %add3A_214 = arith.addi %get3A_27, %add3A_213 : vector<16xi32>
      %mul3A_215 = arith.constant 16 : i32
      %mul3A_216 = arith.muli %scan3A_23, %mul3A_215 : i32
      %add3A_217 = arith.constant 5120 : i32
      %add3A_218 = arith.addi %add3A_217, %mul3A_216 : i32
      %swap3A_219 = arith.index_cast %add3A_218 : i32 to index
      %swap3A_220 = tpu.vector_load %arg10[%swap3A_219] {strides = array<i32>} : memref<16384xi32, #tpu.memory_space<vmem>>, vector<16xi32>,
      tpu.vector_store %arg10[%swap3A_219], %add3A_214 {strides = array<i32>} : memref<16384xi32, #tpu.memory_space<vmem>>, vector<16xi32>,
      %add3A_221 = arith.constant 10158080 : i32
      %add3A_222 = vector.broadcast %add3A_221 : i32 to vector<16xi32>
      %add3A_223 = arith.addi %get3A_31, %add3A_222 : vector<16xi32>
      %mul3A_224 = arith.constant 16 : i32
      %mul3A_225 = arith.muli %scan3A_23, %mul3A_224 : i32
      %add3A_226 = arith.constant 5120 : i32
      %add3A_227 = arith.addi %add3A_226, %mul3A_225 : i32
      %swap3A_228 = arith.index_cast %add3A_227 : i32 to index
      %swap3A_229 = tpu.vector_load %arg11[%swap3A_228] {strides = array<i32>} : memref<16384xi32, #tpu.memory_space<vmem>>, vector<16xi32>,
      tpu.vector_store %arg11[%swap3A_228], %add3A_223 {strides = array<i32>} : memref<16384xi32, #tpu.memory_space<vmem>>, vector<16xi32>,
      %add3A_230 = arith.constant 11173888 : i32
      %add3A_231 = vector.broadcast %add3A_230 : i32 to vector<16xi32>
      %add3A_232 = arith.addi %get3A_27, %add3A_231 : vector<16xi32>
      %mul3A_233 = arith.constant 16 : i32
      %mul3A_234 = arith.muli %scan3A_23, %mul3A_233 : i32
      %add3A_235 = arith.constant 5632 : i32
      %add3A_236 = arith.addi %add3A_235, %mul3A_234 : i32
      %swap3A_237 = arith.index_cast %add3A_236 : i32 to index
      %swap3A_238 = tpu.vector_load %arg10[%swap3A_237] {strides = array<i32>} : memref<16384xi32, #tpu.memory_space<vmem>>, vector<16xi32>,
      tpu.vector_store %arg10[%swap3A_237], %add3A_232 {strides = array<i32>} : memref<16384xi32, #tpu.memory_space<vmem>>, vector<16xi32>,
      %add3A_239 = arith.constant 11173888 : i32
      %add3A_240 = vector.broadcast %add3A_239 : i32 to vector<16xi32>
      %add3A_241 = arith.addi %get3A_31, %add3A_240 : vector<16xi32>
      %mul3A_242 = arith.constant 16 : i32
      %mul3A_243 = arith.muli %scan3A_23, %mul3A_242 : i32
      %add3A_244 = arith.constant 5632 : i32
      %add3A_245 = arith.addi %add3A_244, %mul3A_243 : i32
      %swap3A_246 = arith.index_cast %add3A_245 : i32 to index
      %swap3A_247 = tpu.vector_load %arg11[%swap3A_246] {strides = array<i32>} : memref<16384xi32, #tpu.memory_space<vmem>>, vector<16xi32>,
      tpu.vector_store %arg11[%swap3A_246], %add3A_241 {strides = array<i32>} : memref<16384xi32, #tpu.memory_space<vmem>>, vector<16xi32>,
      %add3A_248 = arith.constant 12189696 : i32
      %add3A_249 = vector.broadcast %add3A_248 : i32 to vector<16xi32>
      %add3A_250 = arith.addi %get3A_27, %add3A_249 : vector<16xi32>
      %mul3A_251 = arith.constant 16 : i32
      %mul3A_252 = arith.muli %scan3A_23, %mul3A_251 : i32
      %add3A_253 = arith.constant 6144 : i32
      %add3A_254 = arith.addi %add3A_253, %mul3A_252 : i32
      %swap3A_255 = arith.index_cast %add3A_254 : i32 to index
      %swap3A_256 = tpu.vector_load %arg10[%swap3A_255] {strides = array<i32>} : memref<16384xi32, #tpu.memory_space<vmem>>, vector<16xi32>,
      tpu.vector_store %arg10[%swap3A_255], %add3A_250 {strides = array<i32>} : memref<16384xi32, #tpu.memory_space<vmem>>, vector<16xi32>,
      %add3A_257 = arith.constant 12189696 : i32
      %add3A_258 = vector.broadcast %add3A_257 : i32 to vector<16xi32>
      %add3A_259 = arith.addi %get3A_31, %add3A_258 : vector<16xi32>
      %mul3A_260 = arith.constant 16 : i32
      %mul3A_261 = arith.muli %scan3A_23, %mul3A_260 : i32
      %add3A_262 = arith.constant 6144 : i32
      %add3A_263 = arith.addi %add3A_262, %mul3A_261 : i32
      %swap3A_264 = arith.index_cast %add3A_263 : i32 to index
      %swap3A_265 = tpu.vector_load %arg11[%swap3A_264] {strides = array<i32>} : memref<16384xi32, #tpu.memory_space<vmem>>, vector<16xi32>,
      tpu.vector_store %arg11[%swap3A_264], %add3A_259 {strides = array<i32>} : memref<16384xi32, #tpu.memory_space<vmem>>, vector<16xi32>,
      %add3A_266 = arith.constant 13205504 : i32
      %add3A_267 = vector.broadcast %add3A_266 : i32 to vector<16xi32>
      %add3A_268 = arith.addi %get3A_27, %add3A_267 : vector<16xi32>
      %mul3A_269 = arith.constant 16 : i32
      %mul3A_270 = arith.muli %scan3A_23, %mul3A_269 : i32
      %add3A_271 = arith.constant 6656 : i32
      %add3A_272 = arith.addi %add3A_271, %mul3A_270 : i32
      %swap3A_273 = arith.index_cast %add3A_272 : i32 to index
      %swap3A_274 = tpu.vector_load %arg10[%swap3A_273] {strides = array<i32>} : memref<16384xi32, #tpu.memory_space<vmem>>, vector<16xi32>,
      tpu.vector_store %arg10[%swap3A_273], %add3A_268 {strides = array<i32>} : memref<16384xi32, #tpu.memory_space<vmem>>, vector<16xi32>,
      %add3A_275 = arith.constant 13205504 : i32
      %add3A_276 = vector.broadcast %add3A_275 : i32 to vector<16xi32>
      %add3A_277 = arith.addi %get3A_31, %add3A_276 : vector<16xi32>
      %mul3A_278 = arith.constant 16 : i32
      %mul3A_279 = arith.muli %scan3A_23, %mul3A_278 : i32
      %add3A_280 = arith.constant 6656 : i32
      %add3A_281 = arith.addi %add3A_280, %mul3A_279 : i32
      %swap3A_282 = arith.index_cast %add3A_281 : i32 to index
      %swap3A_283 = tpu.vector_load %arg11[%swap3A_282] {strides = array<i32>} : memref<16384xi32, #tpu.memory_space<vmem>>, vector<16xi32>,
      tpu.vector_store %arg11[%swap3A_282], %add3A_277 {strides = array<i32>} : memref<16384xi32, #tpu.memory_space<vmem>>, vector<16xi32>,
      %add3A_284 = arith.constant 14221312 : i32
      %add3A_285 = vector.broadcast %add3A_284 : i32 to vector<16xi32>
      %add3A_286 = arith.addi %get3A_27, %add3A_285 : vector<16xi32>
      %mul3A_287 = arith.constant 16 : i32
      %mul3A_288 = arith.muli %scan3A_23, %mul3A_287 : i32
      %add3A_289 = arith.constant 7168 : i32
      %add3A_290 = arith.addi %add3A_289, %mul3A_288 : i32
      %swap3A_291 = arith.index_cast %add3A_290 : i32 to index
      %swap3A_292 = tpu.vector_load %arg10[%swap3A_291] {strides = array<i32>} : memref<16384xi32, #tpu.memory_space<vmem>>, vector<16xi32>,
      tpu.vector_store %arg10[%swap3A_291], %add3A_286 {strides = array<i32>} : memref<16384xi32, #tpu.memory_space<vmem>>, vector<16xi32>,
      %add3A_293 = arith.constant 14221312 : i32
      %add3A_294 = vector.broadcast %add3A_293 : i32 to vector<16xi32>
      %add3A_295 = arith.addi %get3A_31, %add3A_294 : vector<16xi32>
      %mul3A_296 = arith.constant 16 : i32
      %mul3A_297 = arith.muli %scan3A_23, %mul3A_296 : i32
      %add3A_298 = arith.constant 7168 : i32
      %add3A_299 = arith.addi %add3A_298, %mul3A_297 : i32
      %swap3A_300 = arith.index_cast %add3A_299 : i32 to index
      %swap3A_301 = tpu.vector_load %arg11[%swap3A_300] {strides = array<i32>} : memref<16384xi32, #tpu.memory_space<vmem>>, vector<16xi32>,
      tpu.vector_store %arg11[%swap3A_300], %add3A_295 {strides = array<i32>} : memref<16384xi32, #tpu.memory_space<vmem>>, vector<16xi32>,
      %add3A_302 = arith.constant 15237120 : i32
      %add3A_303 = vector.broadcast %add3A_302 : i32 to vector<16xi32>
      %add3A_304 = arith.addi %get3A_27, %add3A_303 : vector<16xi32>
      %mul3A_305 = arith.constant 16 : i32
      %mul3A_306 = arith.muli %scan3A_23, %mul3A_305 : i32
      %add3A_307 = arith.constant 7680 : i32
      %add3A_308 = arith.addi %add3A_307, %mul3A_306 : i32
      %swap3A_309 = arith.index_cast %add3A_308 : i32 to index
      %swap3A_310 = tpu.vector_load %arg10[%swap3A_309] {strides = array<i32>} : memref<16384xi32, #tpu.memory_space<vmem>>, vector<16xi32>,
      tpu.vector_store %arg10[%swap3A_309], %add3A_304 {strides = array<i32>} : memref<16384xi32, #tpu.memory_space<vmem>>, vector<16xi32>,
      %add3A_311 = arith.constant 15237120 : i32
      %add3A_312 = vector.broadcast %add3A_311 : i32 to vector<16xi32>
      %add3A_313 = arith.addi %get3A_31, %add3A_312 : vector<16xi32>
      %mul3A_314 = arith.constant 16 : i32
      %mul3A_315 = arith.muli %scan3A_23, %mul3A_314 : i32
      %add3A_316 = arith.constant 7680 : i32
      %add3A_317 = arith.addi %add3A_316, %mul3A_315 : i32
      %swap3A_318 = arith.index_cast %add3A_317 : i32 to index
      %swap3A_319 = tpu.vector_load %arg11[%swap3A_318] {strides = array<i32>} : memref<16384xi32, #tpu.memory_space<vmem>>, vector<16xi32>,
      tpu.vector_store %arg11[%swap3A_318], %add3A_313 {strides = array<i32>} : memref<16384xi32, #tpu.memory_space<vmem>>, vector<16xi32>,
      %add3A_320 = arith.constant 16252928 : i32
      %add3A_321 = vector.broadcast %add3A_320 : i32 to vector<16xi32>
      %add3A_322 = arith.addi %get3A_27, %add3A_321 : vector<16xi32>
      %mul3A_323 = arith.constant 16 : i32
      %mul3A_324 = arith.muli %scan3A_23, %mul3A_323 : i32
      %add3A_325 = arith.constant 8192 : i32
      %add3A_326 = arith.addi %add3A_325, %mul3A_324 : i32
      %swap3A_327 = arith.index_cast %add3A_326 : i32 to index
      %swap3A_328 = tpu.vector_load %arg10[%swap3A_327] {strides = array<i32>} : memref<16384xi32, #tpu.memory_space<vmem>>, vector<16xi32>,
      tpu.vector_store %arg10[%swap3A_327], %add3A_322 {strides = array<i32>} : memref<16384xi32, #tpu.memory_space<vmem>>, vector<16xi32>,
      %add3A_329 = arith.constant 16252928 : i32
      %add3A_330 = vector.broadcast %add3A_329 : i32 to vector<16xi32>
      %add3A_331 = arith.addi %get3A_31, %add3A_330 : vector<16xi32>
      %mul3A_332 = arith.constant 16 : i32
      %mul3A_333 = arith.muli %scan3A_23, %mul3A_332 : i32
      %add3A_334 = arith.constant 8192 : i32
      %add3A_335 = arith.addi %add3A_334, %mul3A_333 : i32
      %swap3A_336 = arith.index_cast %add3A_335 : i32 to index
      %swap3A_337 = tpu.vector_load %arg11[%swap3A_336] {strides = array<i32>} : memref<16384xi32, #tpu.memory_space<vmem>>, vector<16xi32>,
      tpu.vector_store %arg11[%swap3A_336], %add3A_331 {strides = array<i32>} : memref<16384xi32, #tpu.memory_space<vmem>>, vector<16xi32>,
      %add3A_338 = arith.constant 17268736 : i32
      %add3A_339 = vector.broadcast %add3A_338 : i32 to vector<16xi32>
      %add3A_340 = arith.addi %get3A_27, %add3A_339 : vector<16xi32>
      %mul3A_341 = arith.constant 16 : i32
      %mul3A_342 = arith.muli %scan3A_23, %mul3A_341 : i32
      %add3A_343 = arith.constant 8704 : i32
      %add3A_344 = arith.addi %add3A_343, %mul3A_342 : i32
      %swap3A_345 = arith.index_cast %add3A_344 : i32 to index
      %swap3A_346 = tpu.vector_load %arg10[%swap3A_345] {strides = array<i32>} : memref<16384xi32, #tpu.memory_space<vmem>>, vector<16xi32>,
      tpu.vector_store %arg10[%swap3A_345], %add3A_340 {strides = array<i32>} : memref<16384xi32, #tpu.memory_space<vmem>>, vector<16xi32>,
      %add3A_347 = arith.constant 17268736 : i32
      %add3A_348 = vector.broadcast %add3A_347 : i32 to vector<16xi32>
      %add3A_349 = arith.addi %get3A_31, %add3A_348 : vector<16xi32>
      %mul3A_350 = arith.constant 16 : i32
      %mul3A_351 = arith.muli %scan3A_23, %mul3A_350 : i32
      %add3A_352 = arith.constant 8704 : i32
      %add3A_353 = arith.addi %add3A_352, %mul3A_351 : i32
      %swap3A_354 = arith.index_cast %add3A_353 : i32 to index
      %swap3A_355 = tpu.vector_load %arg11[%swap3A_354] {strides = array<i32>} : memref<16384xi32, #tpu.memory_space<vmem>>, vector<16xi32>,
      tpu.vector_store %arg11[%swap3A_354], %add3A_349 {strides = array<i32>} : memref<16384xi32, #tpu.memory_space<vmem>>, vector<16xi32>,
      %add3A_356 = arith.constant 18284544 : i32
      %add3A_357 = vector.broadcast %add3A_356 : i32 to vector<16xi32>
      %add3A_358 = arith.addi %get3A_27, %add3A_357 : vector<16xi32>
      %mul3A_359 = arith.constant 16 : i32
      %mul3A_360 = arith.muli %scan3A_23, %mul3A_359 : i32
      %add3A_361 = arith.constant 9216 : i32
      %add3A_362 = arith.addi %add3A_361, %mul3A_360 : i32
      %swap3A_363 = arith.index_cast %add3A_362 : i32 to index
      %swap3A_364 = tpu.vector_load %arg10[%swap3A_363] {strides = array<i32>} : memref<16384xi32, #tpu.memory_space<vmem>>, vector<16xi32>,
      tpu.vector_store %arg10[%swap3A_363], %add3A_358 {strides = array<i32>} : memref<16384xi32, #tpu.memory_space<vmem>>, vector<16xi32>,
      %add3A_365 = arith.constant 18284544 : i32
      %add3A_366 = vector.broadcast %add3A_365 : i32 to vector<16xi32>
      %add3A_367 = arith.addi %get3A_31, %add3A_366 : vector<16xi32>
      %mul3A_368 = arith.constant 16 : i32
      %mul3A_369 = arith.muli %scan3A_23, %mul3A_368 : i32
      %add3A_370 = arith.constant 9216 : i32
      %add3A_371 = arith.addi %add3A_370, %mul3A_369 : i32
      %swap3A_372 = arith.index_cast %add3A_371 : i32 to index
      %swap3A_373 = tpu.vector_load %arg11[%swap3A_372] {strides = array<i32>} : memref<16384xi32, #tpu.memory_space<vmem>>, vector<16xi32>,
      tpu.vector_store %arg11[%swap3A_372], %add3A_367 {strides = array<i32>} : memref<16384xi32, #tpu.memory_space<vmem>>, vector<16xi32>,
      %add3A_374 = arith.constant 19300352 : i32
      %add3A_375 = vector.broadcast %add3A_374 : i32 to vector<16xi32>
      %add3A_376 = arith.addi %get3A_27, %add3A_375 : vector<16xi32>
      %mul3A_377 = arith.constant 16 : i32
      %mul3A_378 = arith.muli %scan3A_23, %mul3A_377 : i32
      %add3A_379 = arith.constant 9728 : i32
      %add3A_380 = arith.addi %add3A_379, %mul3A_378 : i32
      %swap3A_381 = arith.index_cast %add3A_380 : i32 to index
      %swap3A_382 = tpu.vector_load %arg10[%swap3A_381] {strides = array<i32>} : memref<16384xi32, #tpu.memory_space<vmem>>, vector<16xi32>,
      tpu.vector_store %arg10[%swap3A_381], %add3A_376 {strides = array<i32>} : memref<16384xi32, #tpu.memory_space<vmem>>, vector<16xi32>,
      %add3A_383 = arith.constant 19300352 : i32
      %add3A_384 = vector.broadcast %add3A_383 : i32 to vector<16xi32>
      %add3A_385 = arith.addi %get3A_31, %add3A_384 : vector<16xi32>
      %mul3A_386 = arith.constant 16 : i32
      %mul3A_387 = arith.muli %scan3A_23, %mul3A_386 : i32
      %add3A_388 = arith.constant 9728 : i32
      %add3A_389 = arith.addi %add3A_388, %mul3A_387 : i32
      %swap3A_390 = arith.index_cast %add3A_389 : i32 to index
      %swap3A_391 = tpu.vector_load %arg11[%swap3A_390] {strides = array<i32>} : memref<16384xi32, #tpu.memory_space<vmem>>, vector<16xi32>,
      tpu.vector_store %arg11[%swap3A_390], %add3A_385 {strides = array<i32>} : memref<16384xi32, #tpu.memory_space<vmem>>, vector<16xi32>,
      %add3A_392 = arith.constant 20316160 : i32
      %add3A_393 = vector.broadcast %add3A_392 : i32 to vector<16xi32>
      %add3A_394 = arith.addi %get3A_27, %add3A_393 : vector<16xi32>
      %mul3A_395 = arith.constant 16 : i32
      %mul3A_396 = arith.muli %scan3A_23, %mul3A_395 : i32
      %add3A_397 = arith.constant 10240 : i32
      %add3A_398 = arith.addi %add3A_397, %mul3A_396 : i32
      %swap3A_399 = arith.index_cast %add3A_398 : i32 to index
      %swap3A_400 = tpu.vector_load %arg10[%swap3A_399] {strides = array<i32>} : memref<16384xi32, #tpu.memory_space<vmem>>, vector<16xi32>,
      tpu.vector_store %arg10[%swap3A_399], %add3A_394 {strides = array<i32>} : memref<16384xi32, #tpu.memory_space<vmem>>, vector<16xi32>,
      %add3A_401 = arith.constant 20316160 : i32
      %add3A_402 = vector.broadcast %add3A_401 : i32 to vector<16xi32>
      %add3A_403 = arith.addi %get3A_31, %add3A_402 : vector<16xi32>
      %mul3A_404 = arith.constant 16 : i32
      %mul3A_405 = arith.muli %scan3A_23, %mul3A_404 : i32
      %add3A_406 = arith.constant 10240 : i32
      %add3A_407 = arith.addi %add3A_406, %mul3A_405 : i32
      %swap3A_408 = arith.index_cast %add3A_407 : i32 to index
      %swap3A_409 = tpu.vector_load %arg11[%swap3A_408] {strides = array<i32>} : memref<16384xi32, #tpu.memory_space<vmem>>, vector<16xi32>,
      tpu.vector_store %arg11[%swap3A_408], %add3A_403 {strides = array<i32>} : memref<16384xi32, #tpu.memory_space<vmem>>, vector<16xi32>,
      %add3A_410 = arith.constant 21331968 : i32
      %add3A_411 = vector.broadcast %add3A_410 : i32 to vector<16xi32>
      %add3A_412 = arith.addi %get3A_27, %add3A_411 : vector<16xi32>
      %mul3A_413 = arith.constant 16 : i32
      %mul3A_414 = arith.muli %scan3A_23, %mul3A_413 : i32
      %add3A_415 = arith.constant 10752 : i32
      %add3A_416 = arith.addi %add3A_415, %mul3A_414 : i32
      %swap3A_417 = arith.index_cast %add3A_416 : i32 to index
      %swap3A_418 = tpu.vector_load %arg10[%swap3A_417] {strides = array<i32>} : memref<16384xi32, #tpu.memory_space<vmem>>, vector<16xi32>,
      tpu.vector_store %arg10[%swap3A_417], %add3A_412 {strides = array<i32>} : memref<16384xi32, #tpu.memory_space<vmem>>, vector<16xi32>,
      %add3A_419 = arith.constant 21331968 : i32
      %add3A_420 = vector.broadcast %add3A_419 : i32 to vector<16xi32>
      %add3A_421 = arith.addi %get3A_31, %add3A_420 : vector<16xi32>
      %mul3A_422 = arith.constant 16 : i32
      %mul3A_423 = arith.muli %scan3A_23, %mul3A_422 : i32
      %add3A_424 = arith.constant 10752 : i32
      %add3A_425 = arith.addi %add3A_424, %mul3A_423 : i32
      %swap3A_426 = arith.index_cast %add3A_425 : i32 to index
      %swap3A_427 = tpu.vector_load %arg11[%swap3A_426] {strides = array<i32>} : memref<16384xi32, #tpu.memory_space<vmem>>, vector<16xi32>,
      tpu.vector_store %arg11[%swap3A_426], %add3A_421 {strides = array<i32>} : memref<16384xi32, #tpu.memory_space<vmem>>, vector<16xi32>,
      %add3A_428 = arith.constant 22347776 : i32
      %add3A_429 = vector.broadcast %add3A_428 : i32 to vector<16xi32>
      %add3A_430 = arith.addi %get3A_27, %add3A_429 : vector<16xi32>
      %mul3A_431 = arith.constant 16 : i32
      %mul3A_432 = arith.muli %scan3A_23, %mul3A_431 : i32
      %add3A_433 = arith.constant 11264 : i32
      %add3A_434 = arith.addi %add3A_433, %mul3A_432 : i32
      %swap3A_435 = arith.index_cast %add3A_434 : i32 to index
      %swap3A_436 = tpu.vector_load %arg10[%swap3A_435] {strides = array<i32>} : memref<16384xi32, #tpu.memory_space<vmem>>, vector<16xi32>,
      tpu.vector_store %arg10[%swap3A_435], %add3A_430 {strides = array<i32>} : memref<16384xi32, #tpu.memory_space<vmem>>, vector<16xi32>,
      %add3A_437 = arith.constant 22347776 : i32
      %add3A_438 = vector.broadcast %add3A_437 : i32 to vector<16xi32>
      %add3A_439 = arith.addi %get3A_31, %add3A_438 : vector<16xi32>
      %mul3A_440 = arith.constant 16 : i32
      %mul3A_441 = arith.muli %scan3A_23, %mul3A_440 : i32
      %add3A_442 = arith.constant 11264 : i32
      %add3A_443 = arith.addi %add3A_442, %mul3A_441 : i32
      %swap3A_444 = arith.index_cast %add3A_443 : i32 to index
      %swap3A_445 = tpu.vector_load %arg11[%swap3A_444] {strides = array<i32>} : memref<16384xi32, #tpu.memory_space<vmem>>, vector<16xi32>,
      tpu.vector_store %arg11[%swap3A_444], %add3A_439 {strides = array<i32>} : memref<16384xi32, #tpu.memory_space<vmem>>, vector<16xi32>,
      %add3A_446 = arith.constant 23363584 : i32
      %add3A_447 = vector.broadcast %add3A_446 : i32 to vector<16xi32>
      %add3A_448 = arith.addi %get3A_27, %add3A_447 : vector<16xi32>
      %mul3A_449 = arith.constant 16 : i32
      %mul3A_450 = arith.muli %scan3A_23, %mul3A_449 : i32
      %add3A_451 = arith.constant 11776 : i32
      %add3A_452 = arith.addi %add3A_451, %mul3A_450 : i32
      %swap3A_453 = arith.index_cast %add3A_452 : i32 to index
      %swap3A_454 = tpu.vector_load %arg10[%swap3A_453] {strides = array<i32>} : memref<16384xi32, #tpu.memory_space<vmem>>, vector<16xi32>,
      tpu.vector_store %arg10[%swap3A_453], %add3A_448 {strides = array<i32>} : memref<16384xi32, #tpu.memory_space<vmem>>, vector<16xi32>,
      %add3A_455 = arith.constant 23363584 : i32
      %add3A_456 = vector.broadcast %add3A_455 : i32 to vector<16xi32>
      %add3A_457 = arith.addi %get3A_31, %add3A_456 : vector<16xi32>
      %mul3A_458 = arith.constant 16 : i32
      %mul3A_459 = arith.muli %scan3A_23, %mul3A_458 : i32
      %add3A_460 = arith.constant 11776 : i32
      %add3A_461 = arith.addi %add3A_460, %mul3A_459 : i32
      %swap3A_462 = arith.index_cast %add3A_461 : i32 to index
      %swap3A_463 = tpu.vector_load %arg11[%swap3A_462] {strides = array<i32>} : memref<16384xi32, #tpu.memory_space<vmem>>, vector<16xi32>,
      tpu.vector_store %arg11[%swap3A_462], %add3A_457 {strides = array<i32>} : memref<16384xi32, #tpu.memory_space<vmem>>, vector<16xi32>,
      %add3A_464 = arith.constant 24379392 : i32
      %add3A_465 = vector.broadcast %add3A_464 : i32 to vector<16xi32>
      %add3A_466 = arith.addi %get3A_27, %add3A_465 : vector<16xi32>
      %mul3A_467 = arith.constant 16 : i32
      %mul3A_468 = arith.muli %scan3A_23, %mul3A_467 : i32
      %add3A_469 = arith.constant 12288 : i32
      %add3A_470 = arith.addi %add3A_469, %mul3A_468 : i32
      %swap3A_471 = arith.index_cast %add3A_470 : i32 to index
      %swap3A_472 = tpu.vector_load %arg10[%swap3A_471] {strides = array<i32>} : memref<16384xi32, #tpu.memory_space<vmem>>, vector<16xi32>,
      tpu.vector_store %arg10[%swap3A_471], %add3A_466 {strides = array<i32>} : memref<16384xi32, #tpu.memory_space<vmem>>, vector<16xi32>,
      %add3A_473 = arith.constant 24379392 : i32
      %add3A_474 = vector.broadcast %add3A_473 : i32 to vector<16xi32>
      %add3A_475 = arith.addi %get3A_31, %add3A_474 : vector<16xi32>
      %mul3A_476 = arith.constant 16 : i32
      %mul3A_477 = arith.muli %scan3A_23, %mul3A_476 : i32
      %add3A_478 = arith.constant 12288 : i32
      %add3A_479 = arith.addi %add3A_478, %mul3A_477 : i32
      %swap3A_480 = arith.index_cast %add3A_479 : i32 to index
      %swap3A_481 = tpu.vector_load %arg11[%swap3A_480] {strides = array<i32>} : memref<16384xi32, #tpu.memory_space<vmem>>, vector<16xi32>,
      tpu.vector_store %arg11[%swap3A_480], %add3A_475 {strides = array<i32>} : memref<16384xi32, #tpu.memory_space<vmem>>, vector<16xi32>,
      %add3A_482 = arith.constant 25395200 : i32
      %add3A_483 = vector.broadcast %add3A_482 : i32 to vector<16xi32>
      %add3A_484 = arith.addi %get3A_27, %add3A_483 : vector<16xi32>
      %mul3A_485 = arith.constant 16 : i32
      %mul3A_486 = arith.muli %scan3A_23, %mul3A_485 : i32
      %add3A_487 = arith.constant 12800 : i32
      %add3A_488 = arith.addi %add3A_487, %mul3A_486 : i32
      %swap3A_489 = arith.index_cast %add3A_488 : i32 to index
      %swap3A_490 = tpu.vector_load %arg10[%swap3A_489] {strides = array<i32>} : memref<16384xi32, #tpu.memory_space<vmem>>, vector<16xi32>,
      tpu.vector_store %arg10[%swap3A_489], %add3A_484 {strides = array<i32>} : memref<16384xi32, #tpu.memory_space<vmem>>, vector<16xi32>,
      %add3A_491 = arith.constant 25395200 : i32
      %add3A_492 = vector.broadcast %add3A_491 : i32 to vector<16xi32>
      %add3A_493 = arith.addi %get3A_31, %add3A_492 : vector<16xi32>
      %mul3A_494 = arith.constant 16 : i32
      %mul3A_495 = arith.muli %scan3A_23, %mul3A_494 : i32
      %add3A_496 = arith.constant 12800 : i32
      %add3A_497 = arith.addi %add3A_496, %mul3A_495 : i32
      %swap3A_498 = arith.index_cast %add3A_497 : i32 to index
      %swap3A_499 = tpu.vector_load %arg11[%swap3A_498] {strides = array<i32>} : memref<16384xi32, #tpu.memory_space<vmem>>, vector<16xi32>,
      tpu.vector_store %arg11[%swap3A_498], %add3A_493 {strides = array<i32>} : memref<16384xi32, #tpu.memory_space<vmem>>, vector<16xi32>,
      %add3A_500 = arith.constant 26411008 : i32
      %add3A_501 = vector.broadcast %add3A_500 : i32 to vector<16xi32>
      %add3A_502 = arith.addi %get3A_27, %add3A_501 : vector<16xi32>
      %mul3A_503 = arith.constant 16 : i32
      %mul3A_504 = arith.muli %scan3A_23, %mul3A_503 : i32
      %add3A_505 = arith.constant 13312 : i32
      %add3A_506 = arith.addi %add3A_505, %mul3A_504 : i32
      %swap3A_507 = arith.index_cast %add3A_506 : i32 to index
      %swap3A_508 = tpu.vector_load %arg10[%swap3A_507] {strides = array<i32>} : memref<16384xi32, #tpu.memory_space<vmem>>, vector<16xi32>,
      tpu.vector_store %arg10[%swap3A_507], %add3A_502 {strides = array<i32>} : memref<16384xi32, #tpu.memory_space<vmem>>, vector<16xi32>,
      %add3A_509 = arith.constant 26411008 : i32
      %add3A_510 = vector.broadcast %add3A_509 : i32 to vector<16xi32>
      %add3A_511 = arith.addi %get3A_31, %add3A_510 : vector<16xi32>
      %mul3A_512 = arith.constant 16 : i32
      %mul3A_513 = arith.muli %scan3A_23, %mul3A_512 : i32
      %add3A_514 = arith.constant 13312 : i32
      %add3A_515 = arith.addi %add3A_514, %mul3A_513 : i32
      %swap3A_516 = arith.index_cast %add3A_515 : i32 to index
      %swap3A_517 = tpu.vector_load %arg11[%swap3A_516] {strides = array<i32>} : memref<16384xi32, #tpu.memory_space<vmem>>, vector<16xi32>,
      tpu.vector_store %arg11[%swap3A_516], %add3A_511 {strides = array<i32>} : memref<16384xi32, #tpu.memory_space<vmem>>, vector<16xi32>,
      %add3A_518 = arith.constant 27426816 : i32
      %add3A_519 = vector.broadcast %add3A_518 : i32 to vector<16xi32>
      %add3A_520 = arith.addi %get3A_27, %add3A_519 : vector<16xi32>
      %mul3A_521 = arith.constant 16 : i32
      %mul3A_522 = arith.muli %scan3A_23, %mul3A_521 : i32
      %add3A_523 = arith.constant 13824 : i32
      %add3A_524 = arith.addi %add3A_523, %mul3A_522 : i32
      %swap3A_525 = arith.index_cast %add3A_524 : i32 to index
      %swap3A_526 = tpu.vector_load %arg10[%swap3A_525] {strides = array<i32>} : memref<16384xi32, #tpu.memory_space<vmem>>, vector<16xi32>,
      tpu.vector_store %arg10[%swap3A_525], %add3A_520 {strides = array<i32>} : memref<16384xi32, #tpu.memory_space<vmem>>, vector<16xi32>,
      %add3A_527 = arith.constant 27426816 : i32
      %add3A_528 = vector.broadcast %add3A_527 : i32 to vector<16xi32>
      %add3A_529 = arith.addi %get3A_31, %add3A_528 : vector<16xi32>
      %mul3A_530 = arith.constant 16 : i32
      %mul3A_531 = arith.muli %scan3A_23, %mul3A_530 : i32
      %add3A_532 = arith.constant 13824 : i32
      %add3A_533 = arith.addi %add3A_532, %mul3A_531 : i32
      %swap3A_534 = arith.index_cast %add3A_533 : i32 to index
      %swap3A_535 = tpu.vector_load %arg11[%swap3A_534] {strides = array<i32>} : memref<16384xi32, #tpu.memory_space<vmem>>, vector<16xi32>,
      tpu.vector_store %arg11[%swap3A_534], %add3A_529 {strides = array<i32>} : memref<16384xi32, #tpu.memory_space<vmem>>, vector<16xi32>,
      %add3A_536 = arith.constant 28442624 : i32
      %add3A_537 = vector.broadcast %add3A_536 : i32 to vector<16xi32>
      %add3A_538 = arith.addi %get3A_27, %add3A_537 : vector<16xi32>
      %mul3A_539 = arith.constant 16 : i32
      %mul3A_540 = arith.muli %scan3A_23, %mul3A_539 : i32
      %add3A_541 = arith.constant 14336 : i32
      %add3A_542 = arith.addi %add3A_541, %mul3A_540 : i32
      %swap3A_543 = arith.index_cast %add3A_542 : i32 to index
      %swap3A_544 = tpu.vector_load %arg10[%swap3A_543] {strides = array<i32>} : memref<16384xi32, #tpu.memory_space<vmem>>, vector<16xi32>,
      tpu.vector_store %arg10[%swap3A_543], %add3A_538 {strides = array<i32>} : memref<16384xi32, #tpu.memory_space<vmem>>, vector<16xi32>,
      %add3A_545 = arith.constant 28442624 : i32
      %add3A_546 = vector.broadcast %add3A_545 : i32 to vector<16xi32>
      %add3A_547 = arith.addi %get3A_31, %add3A_546 : vector<16xi32>
      %mul3A_548 = arith.constant 16 : i32
      %mul3A_549 = arith.muli %scan3A_23, %mul3A_548 : i32
      %add3A_550 = arith.constant 14336 : i32
      %add3A_551 = arith.addi %add3A_550, %mul3A_549 : i32
      %swap3A_552 = arith.index_cast %add3A_551 : i32 to index
      %swap3A_553 = tpu.vector_load %arg11[%swap3A_552] {strides = array<i32>} : memref<16384xi32, #tpu.memory_space<vmem>>, vector<16xi32>,
      tpu.vector_store %arg11[%swap3A_552], %add3A_547 {strides = array<i32>} : memref<16384xi32, #tpu.memory_space<vmem>>, vector<16xi32>,
      %add3A_554 = arith.constant 29458432 : i32
      %add3A_555 = vector.broadcast %add3A_554 : i32 to vector<16xi32>
      %add3A_556 = arith.addi %get3A_27, %add3A_555 : vector<16xi32>
      %mul3A_557 = arith.constant 16 : i32
      %mul3A_558 = arith.muli %scan3A_23, %mul3A_557 : i32
      %add3A_559 = arith.constant 14848 : i32
      %add3A_560 = arith.addi %add3A_559, %mul3A_558 : i32
      %swap3A_561 = arith.index_cast %add3A_560 : i32 to index
      %swap3A_562 = tpu.vector_load %arg10[%swap3A_561] {strides = array<i32>} : memref<16384xi32, #tpu.memory_space<vmem>>, vector<16xi32>,
      tpu.vector_store %arg10[%swap3A_561], %add3A_556 {strides = array<i32>} : memref<16384xi32, #tpu.memory_space<vmem>>, vector<16xi32>,
      %add3A_563 = arith.constant 29458432 : i32
      %add3A_564 = vector.broadcast %add3A_563 : i32 to vector<16xi32>
      %add3A_565 = arith.addi %get3A_31, %add3A_564 : vector<16xi32>
      %mul3A_566 = arith.constant 16 : i32
      %mul3A_567 = arith.muli %scan3A_23, %mul3A_566 : i32
      %add3A_568 = arith.constant 14848 : i32
      %add3A_569 = arith.addi %add3A_568, %mul3A_567 : i32
      %swap3A_570 = arith.index_cast %add3A_569 : i32 to index
      %swap3A_571 = tpu.vector_load %arg11[%swap3A_570] {strides = array<i32>} : memref<16384xi32, #tpu.memory_space<vmem>>, vector<16xi32>,
      tpu.vector_store %arg11[%swap3A_570], %add3A_565 {strides = array<i32>} : memref<16384xi32, #tpu.memory_space<vmem>>, vector<16xi32>,
      %add3A_572 = arith.constant 30474240 : i32
      %add3A_573 = vector.broadcast %add3A_572 : i32 to vector<16xi32>
      %add3A_574 = arith.addi %get3A_27, %add3A_573 : vector<16xi32>
      %mul3A_575 = arith.constant 16 : i32
      %mul3A_576 = arith.muli %scan3A_23, %mul3A_575 : i32
      %add3A_577 = arith.constant 15360 : i32
      %add3A_578 = arith.addi %add3A_577, %mul3A_576 : i32
      %swap3A_579 = arith.index_cast %add3A_578 : i32 to index
      %swap3A_580 = tpu.vector_load %arg10[%swap3A_579] {strides = array<i32>} : memref<16384xi32, #tpu.memory_space<vmem>>, vector<16xi32>,
      tpu.vector_store %arg10[%swap3A_579], %add3A_574 {strides = array<i32>} : memref<16384xi32, #tpu.memory_space<vmem>>, vector<16xi32>,
      %add3A_581 = arith.constant 30474240 : i32
      %add3A_582 = vector.broadcast %add3A_581 : i32 to vector<16xi32>
      %add3A_583 = arith.addi %get3A_31, %add3A_582 : vector<16xi32>
      %mul3A_584 = arith.constant 16 : i32
      %mul3A_585 = arith.muli %scan3A_23, %mul3A_584 : i32
      %add3A_586 = arith.constant 15360 : i32
      %add3A_587 = arith.addi %add3A_586, %mul3A_585 : i32
      %swap3A_588 = arith.index_cast %add3A_587 : i32 to index
      %swap3A_589 = tpu.vector_load %arg11[%swap3A_588] {strides = array<i32>} : memref<16384xi32, #tpu.memory_space<vmem>>, vector<16xi32>,
      tpu.vector_store %arg11[%swap3A_588], %add3A_583 {strides = array<i32>} : memref<16384xi32, #tpu.memory_space<vmem>>, vector<16xi32>,
      %add3A_590 = arith.constant 31490048 : i32
      %add3A_591 = vector.broadcast %add3A_590 : i32 to vector<16xi32>
      %add3A_592 = arith.addi %get3A_27, %add3A_591 : vector<16xi32>
      %mul3A_593 = arith.constant 16 : i32
      %mul3A_594 = arith.muli %scan3A_23, %mul3A_593 : i32
      %add3A_595 = arith.constant 15872 : i32
      %add3A_596 = arith.addi %add3A_595, %mul3A_594 : i32
      %swap3A_597 = arith.index_cast %add3A_596 : i32 to index
      %swap3A_598 = tpu.vector_load %arg10[%swap3A_597] {strides = array<i32>} : memref<16384xi32, #tpu.memory_space<vmem>>, vector<16xi32>,
      tpu.vector_store %arg10[%swap3A_597], %add3A_592 {strides = array<i32>} : memref<16384xi32, #tpu.memory_space<vmem>>, vector<16xi32>,
      %add3A_599 = arith.constant 31490048 : i32
      %add3A_600 = vector.broadcast %add3A_599 : i32 to vector<16xi32>
      %add3A_601 = arith.addi %get3A_31, %add3A_600 : vector<16xi32>
      %mul3A_602 = arith.constant 16 : i32
      %mul3A_603 = arith.muli %scan3A_23, %mul3A_602 : i32
      %add3A_604 = arith.constant 15872 : i32
      %add3A_605 = arith.addi %add3A_604, %mul3A_603 : i32
      %swap3A_606 = arith.index_cast %add3A_605 : i32 to index
      %swap3A_607 = tpu.vector_load %arg11[%swap3A_606] {strides = array<i32>} : memref<16384xi32, #tpu.memory_space<vmem>>, vector<16xi32>,
      tpu.vector_store %arg11[%swap3A_606], %add3A_601 {strides = array<i32>} : memref<16384xi32, #tpu.memory_space<vmem>>, vector<16xi32>,
      %scan3A_608 = arith.constant 0 : i32
      scf.yield %scan3A_608 : i32
    }
    %scan3A_8 = arith.constant 32 : i32
    %dma_start3A = arith.constant 0 : i32
    %dma_start3A_9 = tpu.memref_slice %arg5[%dma_start3A] : memref<32505856xf32, #tpu.memory_space<hbm>> -> memref<32505856xf32, #tpu.memory_space<hbm>>
    tpu.enqueue_indirect_dma source(%dma_start3A_9 : memref<32505856xf32, #tpu.memory_space<hbm>>) target(%arg12 : memref<16384xf32, #tpu.memory_space<vmem>>) offsets(%arg10 : memref<16384xi32, #tpu.memory_space<vmem>>) semaphore(%arg15 : memref<!tpu.dma_semaphore, #tpu.memory_space<semaphore_mem>>)
    %dma_start3A_10 = arith.constant 0 : i32
    %dma_start3A_11 = tpu.memref_slice %arg5[%dma_start3A_10] : memref<32505856xf32, #tpu.memory_space<hbm>> -> memref<32505856xf32, #tpu.memory_space<hbm>>
    tpu.enqueue_indirect_dma source(%dma_start3A_11 : memref<32505856xf32, #tpu.memory_space<hbm>>) target(%arg13 : memref<16384xf32, #tpu.memory_space<vmem>>) offsets(%arg11 : memref<16384xi32, #tpu.memory_space<vmem>>) semaphore(%arg16 : memref<!tpu.dma_semaphore, #tpu.memory_space<semaphore_mem>>)
    %dma_wait3A = arith.constant 0 : i32
    %dma_wait3A_12 = tpu.memref_slice %arg5[%dma_wait3A] : memref<32505856xf32, #tpu.memory_space<hbm>> -> memref<32505856xf32, #tpu.memory_space<hbm>>
    tpu.wait_indirect_dma semaphore(%arg15 : memref<!tpu.dma_semaphore, #tpu.memory_space<semaphore_mem>>) src(%dma_wait3A_12 : memref<32505856xf32, #tpu.memory_space<hbm>>) dst(%arg12 : memref<16384xf32, #tpu.memory_space<vmem>>)
    %dma_wait3A_13 = arith.constant 0 : i32
    %dma_wait3A_14 = tpu.memref_slice %arg5[%dma_wait3A_13] : memref<32505856xf32, #tpu.memory_space<hbm>> -> memref<32505856xf32, #tpu.memory_space<hbm>>
    tpu.wait_indirect_dma semaphore(%arg16 : memref<!tpu.dma_semaphore, #tpu.memory_space<semaphore_mem>>) src(%dma_wait3A_14 : memref<32505856xf32, #tpu.memory_space<hbm>>) dst(%arg13 : memref<16384xf32, #tpu.memory_space<vmem>>)
    %broadcast_in_dim3A = arith.constant 0.000000e+00 : f32
    %broadcast_in_dim3A_15 = vector.broadcast %broadcast_in_dim3A : f32 to vector<16xf32>
    %scan3A_16 = arith.constant 0 : i32
    %scan3A_17 = arith.constant 32 : i32
    %scan3A_18 = arith.addi %scan3A_16, %scan3A_17 : i32
    %scan3A_19 = arith.constant 1 : i32
    %scan3A_20 = scf.for %scan3A_23 = %scan3A_16 to %scan3A_18 step %scan3A_19 iter_args(%scan3A_24 = %broadcast_in_dim3A_15) -> (vector<16xf32>)  : i32 {
      %mul3A_25 = arith.constant 16 : i32
      %mul3A_26 = arith.muli %scan3A_23, %mul3A_25 : i32
      %add3A_27 = arith.constant 0 : i32
      %add3A_28 = arith.addi %add3A_27, %mul3A_26 : i32
      %get3A = arith.index_cast %add3A_28 : i32 to index
      %get3A_29 = tpu.vector_load %arg12[%get3A] {strides = array<i32>} : memref<16384xf32, #tpu.memory_space<vmem>>, vector<16xf32>,
      %mul3A_30 = arith.constant 16 : i32
      %mul3A_31 = arith.muli %scan3A_23, %mul3A_30 : i32
      %add3A_32 = arith.constant 0 : i32
      %add3A_33 = arith.addi %add3A_32, %mul3A_31 : i32
      %get3A_34 = arith.index_cast %add3A_33 : i32 to index
      %get3A_35 = tpu.vector_load %arg13[%get3A_34] {strides = array<i32>} : memref<16384xf32, #tpu.memory_space<vmem>>, vector<16xf32>,
      %mul3A_36 = arith.mulf %get3A_29, %get3A_29 : vector<16xf32>
      %add3A_37 = arith.addf %broadcast_in_dim3A_15, %mul3A_36 : vector<16xf32>
      %mul3A_38 = arith.mulf %get3A_35, %get3A_35 : vector<16xf32>
      %add3A_39 = arith.addf %broadcast_in_dim3A_15, %mul3A_38 : vector<16xf32>
      %sub3A = arith.subf %get3A_29, %get3A_35 : vector<16xf32>
      %mul3A_40 = arith.mulf %sub3A, %sub3A : vector<16xf32>
      %add3A_41 = arith.addf %broadcast_in_dim3A_15, %mul3A_40 : vector<16xf32>
      %mul3A_42 = arith.constant 16 : i32
      %mul3A_43 = arith.muli %scan3A_23, %mul3A_42 : i32
      %add3A_44 = arith.constant 512 : i32
      %add3A_45 = arith.addi %add3A_44, %mul3A_43 : i32
      %get3A_46 = arith.index_cast %add3A_45 : i32 to index
      %get3A_47 = tpu.vector_load %arg12[%get3A_46] {strides = array<i32>} : memref<16384xf32, #tpu.memory_space<vmem>>, vector<16xf32>,
      %mul3A_48 = arith.constant 16 : i32
      %mul3A_49 = arith.muli %scan3A_23, %mul3A_48 : i32
      %add3A_50 = arith.constant 512 : i32
      %add3A_51 = arith.addi %add3A_50, %mul3A_49 : i32
      %get3A_52 = arith.index_cast %add3A_51 : i32 to index
      %get3A_53 = tpu.vector_load %arg13[%get3A_52] {strides = array<i32>} : memref<16384xf32, #tpu.memory_space<vmem>>, vector<16xf32>,
      %mul3A_54 = arith.mulf %get3A_47, %get3A_47 : vector<16xf32>
      %add3A_55 = arith.addf %add3A_37, %mul3A_54 : vector<16xf32>
      %mul3A_56 = arith.mulf %get3A_53, %get3A_53 : vector<16xf32>
      %add3A_57 = arith.addf %add3A_39, %mul3A_56 : vector<16xf32>
      %sub3A_58 = arith.subf %get3A_47, %get3A_53 : vector<16xf32>
      %mul3A_59 = arith.mulf %sub3A_58, %sub3A_58 : vector<16xf32>
      %add3A_60 = arith.addf %add3A_41, %mul3A_59 : vector<16xf32>
      %mul3A_61 = arith.constant 16 : i32
      %mul3A_62 = arith.muli %scan3A_23, %mul3A_61 : i32
      %add3A_63 = arith.constant 1024 : i32
      %add3A_64 = arith.addi %add3A_63, %mul3A_62 : i32
      %get3A_65 = arith.index_cast %add3A_64 : i32 to index
      %get3A_66 = tpu.vector_load %arg12[%get3A_65] {strides = array<i32>} : memref<16384xf32, #tpu.memory_space<vmem>>, vector<16xf32>,
      %mul3A_67 = arith.constant 16 : i32
      %mul3A_68 = arith.muli %scan3A_23, %mul3A_67 : i32
      %add3A_69 = arith.constant 1024 : i32
      %add3A_70 = arith.addi %add3A_69, %mul3A_68 : i32
      %get3A_71 = arith.index_cast %add3A_70 : i32 to index
      %get3A_72 = tpu.vector_load %arg13[%get3A_71] {strides = array<i32>} : memref<16384xf32, #tpu.memory_space<vmem>>, vector<16xf32>,
      %mul3A_73 = arith.mulf %get3A_66, %get3A_66 : vector<16xf32>
      %add3A_74 = arith.addf %add3A_55, %mul3A_73 : vector<16xf32>
      %mul3A_75 = arith.mulf %get3A_72, %get3A_72 : vector<16xf32>
      %add3A_76 = arith.addf %add3A_57, %mul3A_75 : vector<16xf32>
      %sub3A_77 = arith.subf %get3A_66, %get3A_72 : vector<16xf32>
      %mul3A_78 = arith.mulf %sub3A_77, %sub3A_77 : vector<16xf32>
      %add3A_79 = arith.addf %add3A_60, %mul3A_78 : vector<16xf32>
      %mul3A_80 = arith.constant 16 : i32
      %mul3A_81 = arith.muli %scan3A_23, %mul3A_80 : i32
      %add3A_82 = arith.constant 1536 : i32
      %add3A_83 = arith.addi %add3A_82, %mul3A_81 : i32
      %get3A_84 = arith.index_cast %add3A_83 : i32 to index
      %get3A_85 = tpu.vector_load %arg12[%get3A_84] {strides = array<i32>} : memref<16384xf32, #tpu.memory_space<vmem>>, vector<16xf32>,
      %mul3A_86 = arith.constant 16 : i32
      %mul3A_87 = arith.muli %scan3A_23, %mul3A_86 : i32
      %add3A_88 = arith.constant 1536 : i32
      %add3A_89 = arith.addi %add3A_88, %mul3A_87 : i32
      %get3A_90 = arith.index_cast %add3A_89 : i32 to index
      %get3A_91 = tpu.vector_load %arg13[%get3A_90] {strides = array<i32>} : memref<16384xf32, #tpu.memory_space<vmem>>, vector<16xf32>,
      %mul3A_92 = arith.mulf %get3A_85, %get3A_85 : vector<16xf32>
      %add3A_93 = arith.addf %add3A_74, %mul3A_92 : vector<16xf32>
      %mul3A_94 = arith.mulf %get3A_91, %get3A_91 : vector<16xf32>
      %add3A_95 = arith.addf %add3A_76, %mul3A_94 : vector<16xf32>
      %sub3A_96 = arith.subf %get3A_85, %get3A_91 : vector<16xf32>
      %mul3A_97 = arith.mulf %sub3A_96, %sub3A_96 : vector<16xf32>
      %add3A_98 = arith.addf %add3A_79, %mul3A_97 : vector<16xf32>
      %mul3A_99 = arith.constant 16 : i32
      %mul3A_100 = arith.muli %scan3A_23, %mul3A_99 : i32
      %add3A_101 = arith.constant 2048 : i32
      %add3A_102 = arith.addi %add3A_101, %mul3A_100 : i32
      %get3A_103 = arith.index_cast %add3A_102 : i32 to index
      %get3A_104 = tpu.vector_load %arg12[%get3A_103] {strides = array<i32>} : memref<16384xf32, #tpu.memory_space<vmem>>, vector<16xf32>,
      %mul3A_105 = arith.constant 16 : i32
      %mul3A_106 = arith.muli %scan3A_23, %mul3A_105 : i32
      %add3A_107 = arith.constant 2048 : i32
      %add3A_108 = arith.addi %add3A_107, %mul3A_106 : i32
      %get3A_109 = arith.index_cast %add3A_108 : i32 to index
      %get3A_110 = tpu.vector_load %arg13[%get3A_109] {strides = array<i32>} : memref<16384xf32, #tpu.memory_space<vmem>>, vector<16xf32>,
      %mul3A_111 = arith.mulf %get3A_104, %get3A_104 : vector<16xf32>
      %add3A_112 = arith.addf %add3A_93, %mul3A_111 : vector<16xf32>
      %mul3A_113 = arith.mulf %get3A_110, %get3A_110 : vector<16xf32>
      %add3A_114 = arith.addf %add3A_95, %mul3A_113 : vector<16xf32>
      %sub3A_115 = arith.subf %get3A_104, %get3A_110 : vector<16xf32>
      %mul3A_116 = arith.mulf %sub3A_115, %sub3A_115 : vector<16xf32>
      %add3A_117 = arith.addf %add3A_98, %mul3A_116 : vector<16xf32>
      %mul3A_118 = arith.constant 16 : i32
      %mul3A_119 = arith.muli %scan3A_23, %mul3A_118 : i32
      %add3A_120 = arith.constant 2560 : i32
      %add3A_121 = arith.addi %add3A_120, %mul3A_119 : i32
      %get3A_122 = arith.index_cast %add3A_121 : i32 to index
      %get3A_123 = tpu.vector_load %arg12[%get3A_122] {strides = array<i32>} : memref<16384xf32, #tpu.memory_space<vmem>>, vector<16xf32>,
      %mul3A_124 = arith.constant 16 : i32
      %mul3A_125 = arith.muli %scan3A_23, %mul3A_124 : i32
      %add3A_126 = arith.constant 2560 : i32
      %add3A_127 = arith.addi %add3A_126, %mul3A_125 : i32
      %get3A_128 = arith.index_cast %add3A_127 : i32 to index
      %get3A_129 = tpu.vector_load %arg13[%get3A_128] {strides = array<i32>} : memref<16384xf32, #tpu.memory_space<vmem>>, vector<16xf32>,
      %mul3A_130 = arith.mulf %get3A_123, %get3A_123 : vector<16xf32>
      %add3A_131 = arith.addf %add3A_112, %mul3A_130 : vector<16xf32>
      %mul3A_132 = arith.mulf %get3A_129, %get3A_129 : vector<16xf32>
      %add3A_133 = arith.addf %add3A_114, %mul3A_132 : vector<16xf32>
      %sub3A_134 = arith.subf %get3A_123, %get3A_129 : vector<16xf32>
      %mul3A_135 = arith.mulf %sub3A_134, %sub3A_134 : vector<16xf32>
      %add3A_136 = arith.addf %add3A_117, %mul3A_135 : vector<16xf32>
      %mul3A_137 = arith.constant 16 : i32
      %mul3A_138 = arith.muli %scan3A_23, %mul3A_137 : i32
      %add3A_139 = arith.constant 3072 : i32
      %add3A_140 = arith.addi %add3A_139, %mul3A_138 : i32
      %get3A_141 = arith.index_cast %add3A_140 : i32 to index
      %get3A_142 = tpu.vector_load %arg12[%get3A_141] {strides = array<i32>} : memref<16384xf32, #tpu.memory_space<vmem>>, vector<16xf32>,
      %mul3A_143 = arith.constant 16 : i32
      %mul3A_144 = arith.muli %scan3A_23, %mul3A_143 : i32
      %add3A_145 = arith.constant 3072 : i32
      %add3A_146 = arith.addi %add3A_145, %mul3A_144 : i32
      %get3A_147 = arith.index_cast %add3A_146 : i32 to index
      %get3A_148 = tpu.vector_load %arg13[%get3A_147] {strides = array<i32>} : memref<16384xf32, #tpu.memory_space<vmem>>, vector<16xf32>,
      %mul3A_149 = arith.mulf %get3A_142, %get3A_142 : vector<16xf32>
      %add3A_150 = arith.addf %add3A_131, %mul3A_149 : vector<16xf32>
      %mul3A_151 = arith.mulf %get3A_148, %get3A_148 : vector<16xf32>
      %add3A_152 = arith.addf %add3A_133, %mul3A_151 : vector<16xf32>
      %sub3A_153 = arith.subf %get3A_142, %get3A_148 : vector<16xf32>
      %mul3A_154 = arith.mulf %sub3A_153, %sub3A_153 : vector<16xf32>
      %add3A_155 = arith.addf %add3A_136, %mul3A_154 : vector<16xf32>
      %mul3A_156 = arith.constant 16 : i32
      %mul3A_157 = arith.muli %scan3A_23, %mul3A_156 : i32
      %add3A_158 = arith.constant 3584 : i32
      %add3A_159 = arith.addi %add3A_158, %mul3A_157 : i32
      %get3A_160 = arith.index_cast %add3A_159 : i32 to index
      %get3A_161 = tpu.vector_load %arg12[%get3A_160] {strides = array<i32>} : memref<16384xf32, #tpu.memory_space<vmem>>, vector<16xf32>,
      %mul3A_162 = arith.constant 16 : i32
      %mul3A_163 = arith.muli %scan3A_23, %mul3A_162 : i32
      %add3A_164 = arith.constant 3584 : i32
      %add3A_165 = arith.addi %add3A_164, %mul3A_163 : i32
      %get3A_166 = arith.index_cast %add3A_165 : i32 to index
      %get3A_167 = tpu.vector_load %arg13[%get3A_166] {strides = array<i32>} : memref<16384xf32, #tpu.memory_space<vmem>>, vector<16xf32>,
      %mul3A_168 = arith.mulf %get3A_161, %get3A_161 : vector<16xf32>
      %add3A_169 = arith.addf %add3A_150, %mul3A_168 : vector<16xf32>
      %mul3A_170 = arith.mulf %get3A_167, %get3A_167 : vector<16xf32>
      %add3A_171 = arith.addf %add3A_152, %mul3A_170 : vector<16xf32>
      %sub3A_172 = arith.subf %get3A_161, %get3A_167 : vector<16xf32>
      %mul3A_173 = arith.mulf %sub3A_172, %sub3A_172 : vector<16xf32>
      %add3A_174 = arith.addf %add3A_155, %mul3A_173 : vector<16xf32>
      %mul3A_175 = arith.constant 16 : i32
      %mul3A_176 = arith.muli %scan3A_23, %mul3A_175 : i32
      %add3A_177 = arith.constant 4096 : i32
      %add3A_178 = arith.addi %add3A_177, %mul3A_176 : i32
      %get3A_179 = arith.index_cast %add3A_178 : i32 to index
      %get3A_180 = tpu.vector_load %arg12[%get3A_179] {strides = array<i32>} : memref<16384xf32, #tpu.memory_space<vmem>>, vector<16xf32>,
      %mul3A_181 = arith.constant 16 : i32
      %mul3A_182 = arith.muli %scan3A_23, %mul3A_181 : i32
      %add3A_183 = arith.constant 4096 : i32
      %add3A_184 = arith.addi %add3A_183, %mul3A_182 : i32
      %get3A_185 = arith.index_cast %add3A_184 : i32 to index
      %get3A_186 = tpu.vector_load %arg13[%get3A_185] {strides = array<i32>} : memref<16384xf32, #tpu.memory_space<vmem>>, vector<16xf32>,
      %mul3A_187 = arith.mulf %get3A_180, %get3A_180 : vector<16xf32>
      %add3A_188 = arith.addf %add3A_169, %mul3A_187 : vector<16xf32>
      %mul3A_189 = arith.mulf %get3A_186, %get3A_186 : vector<16xf32>
      %add3A_190 = arith.addf %add3A_171, %mul3A_189 : vector<16xf32>
      %sub3A_191 = arith.subf %get3A_180, %get3A_186 : vector<16xf32>
      %mul3A_192 = arith.mulf %sub3A_191, %sub3A_191 : vector<16xf32>
      %add3A_193 = arith.addf %add3A_174, %mul3A_192 : vector<16xf32>
      %mul3A_194 = arith.constant 16 : i32
      %mul3A_195 = arith.muli %scan3A_23, %mul3A_194 : i32
      %add3A_196 = arith.constant 4608 : i32
      %add3A_197 = arith.addi %add3A_196, %mul3A_195 : i32
      %get3A_198 = arith.index_cast %add3A_197 : i32 to index
      %get3A_199 = tpu.vector_load %arg12[%get3A_198] {strides = array<i32>} : memref<16384xf32, #tpu.memory_space<vmem>>, vector<16xf32>,
      %mul3A_200 = arith.constant 16 : i32
      %mul3A_201 = arith.muli %scan3A_23, %mul3A_200 : i32
      %add3A_202 = arith.constant 4608 : i32
      %add3A_203 = arith.addi %add3A_202, %mul3A_201 : i32
      %get3A_204 = arith.index_cast %add3A_203 : i32 to index
      %get3A_205 = tpu.vector_load %arg13[%get3A_204] {strides = array<i32>} : memref<16384xf32, #tpu.memory_space<vmem>>, vector<16xf32>,
      %mul3A_206 = arith.mulf %get3A_199, %get3A_199 : vector<16xf32>
      %add3A_207 = arith.addf %add3A_188, %mul3A_206 : vector<16xf32>
      %mul3A_208 = arith.mulf %get3A_205, %get3A_205 : vector<16xf32>
      %add3A_209 = arith.addf %add3A_190, %mul3A_208 : vector<16xf32>
      %sub3A_210 = arith.subf %get3A_199, %get3A_205 : vector<16xf32>
      %mul3A_211 = arith.mulf %sub3A_210, %sub3A_210 : vector<16xf32>
      %add3A_212 = arith.addf %add3A_193, %mul3A_211 : vector<16xf32>
      %mul3A_213 = arith.constant 16 : i32
      %mul3A_214 = arith.muli %scan3A_23, %mul3A_213 : i32
      %add3A_215 = arith.constant 5120 : i32
      %add3A_216 = arith.addi %add3A_215, %mul3A_214 : i32
      %get3A_217 = arith.index_cast %add3A_216 : i32 to index
      %get3A_218 = tpu.vector_load %arg12[%get3A_217] {strides = array<i32>} : memref<16384xf32, #tpu.memory_space<vmem>>, vector<16xf32>,
      %mul3A_219 = arith.constant 16 : i32
      %mul3A_220 = arith.muli %scan3A_23, %mul3A_219 : i32
      %add3A_221 = arith.constant 5120 : i32
      %add3A_222 = arith.addi %add3A_221, %mul3A_220 : i32
      %get3A_223 = arith.index_cast %add3A_222 : i32 to index
      %get3A_224 = tpu.vector_load %arg13[%get3A_223] {strides = array<i32>} : memref<16384xf32, #tpu.memory_space<vmem>>, vector<16xf32>,
      %mul3A_225 = arith.mulf %get3A_218, %get3A_218 : vector<16xf32>
      %add3A_226 = arith.addf %add3A_207, %mul3A_225 : vector<16xf32>
      %mul3A_227 = arith.mulf %get3A_224, %get3A_224 : vector<16xf32>
      %add3A_228 = arith.addf %add3A_209, %mul3A_227 : vector<16xf32>
      %sub3A_229 = arith.subf %get3A_218, %get3A_224 : vector<16xf32>
      %mul3A_230 = arith.mulf %sub3A_229, %sub3A_229 : vector<16xf32>
      %add3A_231 = arith.addf %add3A_212, %mul3A_230 : vector<16xf32>
      %mul3A_232 = arith.constant 16 : i32
      %mul3A_233 = arith.muli %scan3A_23, %mul3A_232 : i32
      %add3A_234 = arith.constant 5632 : i32
      %add3A_235 = arith.addi %add3A_234, %mul3A_233 : i32
      %get3A_236 = arith.index_cast %add3A_235 : i32 to index
      %get3A_237 = tpu.vector_load %arg12[%get3A_236] {strides = array<i32>} : memref<16384xf32, #tpu.memory_space<vmem>>, vector<16xf32>,
      %mul3A_238 = arith.constant 16 : i32
      %mul3A_239 = arith.muli %scan3A_23, %mul3A_238 : i32
      %add3A_240 = arith.constant 5632 : i32
      %add3A_241 = arith.addi %add3A_240, %mul3A_239 : i32
      %get3A_242 = arith.index_cast %add3A_241 : i32 to index
      %get3A_243 = tpu.vector_load %arg13[%get3A_242] {strides = array<i32>} : memref<16384xf32, #tpu.memory_space<vmem>>, vector<16xf32>,
      %mul3A_244 = arith.mulf %get3A_237, %get3A_237 : vector<16xf32>
      %add3A_245 = arith.addf %add3A_226, %mul3A_244 : vector<16xf32>
      %mul3A_246 = arith.mulf %get3A_243, %get3A_243 : vector<16xf32>
      %add3A_247 = arith.addf %add3A_228, %mul3A_246 : vector<16xf32>
      %sub3A_248 = arith.subf %get3A_237, %get3A_243 : vector<16xf32>
      %mul3A_249 = arith.mulf %sub3A_248, %sub3A_248 : vector<16xf32>
      %add3A_250 = arith.addf %add3A_231, %mul3A_249 : vector<16xf32>
      %mul3A_251 = arith.constant 16 : i32
      %mul3A_252 = arith.muli %scan3A_23, %mul3A_251 : i32
      %add3A_253 = arith.constant 6144 : i32
      %add3A_254 = arith.addi %add3A_253, %mul3A_252 : i32
      %get3A_255 = arith.index_cast %add3A_254 : i32 to index
      %get3A_256 = tpu.vector_load %arg12[%get3A_255] {strides = array<i32>} : memref<16384xf32, #tpu.memory_space<vmem>>, vector<16xf32>,
      %mul3A_257 = arith.constant 16 : i32
      %mul3A_258 = arith.muli %scan3A_23, %mul3A_257 : i32
      %add3A_259 = arith.constant 6144 : i32
      %add3A_260 = arith.addi %add3A_259, %mul3A_258 : i32
      %get3A_261 = arith.index_cast %add3A_260 : i32 to index
      %get3A_262 = tpu.vector_load %arg13[%get3A_261] {strides = array<i32>} : memref<16384xf32, #tpu.memory_space<vmem>>, vector<16xf32>,
      %mul3A_263 = arith.mulf %get3A_256, %get3A_256 : vector<16xf32>
      %add3A_264 = arith.addf %add3A_245, %mul3A_263 : vector<16xf32>
      %mul3A_265 = arith.mulf %get3A_262, %get3A_262 : vector<16xf32>
      %add3A_266 = arith.addf %add3A_247, %mul3A_265 : vector<16xf32>
      %sub3A_267 = arith.subf %get3A_256, %get3A_262 : vector<16xf32>
      %mul3A_268 = arith.mulf %sub3A_267, %sub3A_267 : vector<16xf32>
      %add3A_269 = arith.addf %add3A_250, %mul3A_268 : vector<16xf32>
      %mul3A_270 = arith.constant 16 : i32
      %mul3A_271 = arith.muli %scan3A_23, %mul3A_270 : i32
      %add3A_272 = arith.constant 6656 : i32
      %add3A_273 = arith.addi %add3A_272, %mul3A_271 : i32
      %get3A_274 = arith.index_cast %add3A_273 : i32 to index
      %get3A_275 = tpu.vector_load %arg12[%get3A_274] {strides = array<i32>} : memref<16384xf32, #tpu.memory_space<vmem>>, vector<16xf32>,
      %mul3A_276 = arith.constant 16 : i32
      %mul3A_277 = arith.muli %scan3A_23, %mul3A_276 : i32
      %add3A_278 = arith.constant 6656 : i32
      %add3A_279 = arith.addi %add3A_278, %mul3A_277 : i32
      %get3A_280 = arith.index_cast %add3A_279 : i32 to index
      %get3A_281 = tpu.vector_load %arg13[%get3A_280] {strides = array<i32>} : memref<16384xf32, #tpu.memory_space<vmem>>, vector<16xf32>,
      %mul3A_282 = arith.mulf %get3A_275, %get3A_275 : vector<16xf32>
      %add3A_283 = arith.addf %add3A_264, %mul3A_282 : vector<16xf32>
      %mul3A_284 = arith.mulf %get3A_281, %get3A_281 : vector<16xf32>
      %add3A_285 = arith.addf %add3A_266, %mul3A_284 : vector<16xf32>
      %sub3A_286 = arith.subf %get3A_275, %get3A_281 : vector<16xf32>
      %mul3A_287 = arith.mulf %sub3A_286, %sub3A_286 : vector<16xf32>
      %add3A_288 = arith.addf %add3A_269, %mul3A_287 : vector<16xf32>
      %mul3A_289 = arith.constant 16 : i32
      %mul3A_290 = arith.muli %scan3A_23, %mul3A_289 : i32
      %add3A_291 = arith.constant 7168 : i32
      %add3A_292 = arith.addi %add3A_291, %mul3A_290 : i32
      %get3A_293 = arith.index_cast %add3A_292 : i32 to index
      %get3A_294 = tpu.vector_load %arg12[%get3A_293] {strides = array<i32>} : memref<16384xf32, #tpu.memory_space<vmem>>, vector<16xf32>,
      %mul3A_295 = arith.constant 16 : i32
      %mul3A_296 = arith.muli %scan3A_23, %mul3A_295 : i32
      %add3A_297 = arith.constant 7168 : i32
      %add3A_298 = arith.addi %add3A_297, %mul3A_296 : i32
      %get3A_299 = arith.index_cast %add3A_298 : i32 to index
      %get3A_300 = tpu.vector_load %arg13[%get3A_299] {strides = array<i32>} : memref<16384xf32, #tpu.memory_space<vmem>>, vector<16xf32>,
      %mul3A_301 = arith.mulf %get3A_294, %get3A_294 : vector<16xf32>
      %add3A_302 = arith.addf %add3A_283, %mul3A_301 : vector<16xf32>
      %mul3A_303 = arith.mulf %get3A_300, %get3A_300 : vector<16xf32>
      %add3A_304 = arith.addf %add3A_285, %mul3A_303 : vector<16xf32>
      %sub3A_305 = arith.subf %get3A_294, %get3A_300 : vector<16xf32>
      %mul3A_306 = arith.mulf %sub3A_305, %sub3A_305 : vector<16xf32>
      %add3A_307 = arith.addf %add3A_288, %mul3A_306 : vector<16xf32>
      %mul3A_308 = arith.constant 16 : i32
      %mul3A_309 = arith.muli %scan3A_23, %mul3A_308 : i32
      %add3A_310 = arith.constant 7680 : i32
      %add3A_311 = arith.addi %add3A_310, %mul3A_309 : i32
      %get3A_312 = arith.index_cast %add3A_311 : i32 to index
      %get3A_313 = tpu.vector_load %arg12[%get3A_312] {strides = array<i32>} : memref<16384xf32, #tpu.memory_space<vmem>>, vector<16xf32>,
      %mul3A_314 = arith.constant 16 : i32
      %mul3A_315 = arith.muli %scan3A_23, %mul3A_314 : i32
      %add3A_316 = arith.constant 7680 : i32
      %add3A_317 = arith.addi %add3A_316, %mul3A_315 : i32
      %get3A_318 = arith.index_cast %add3A_317 : i32 to index
      %get3A_319 = tpu.vector_load %arg13[%get3A_318] {strides = array<i32>} : memref<16384xf32, #tpu.memory_space<vmem>>, vector<16xf32>,
      %mul3A_320 = arith.mulf %get3A_313, %get3A_313 : vector<16xf32>
      %add3A_321 = arith.addf %add3A_302, %mul3A_320 : vector<16xf32>
      %mul3A_322 = arith.mulf %get3A_319, %get3A_319 : vector<16xf32>
      %add3A_323 = arith.addf %add3A_304, %mul3A_322 : vector<16xf32>
      %sub3A_324 = arith.subf %get3A_313, %get3A_319 : vector<16xf32>
      %mul3A_325 = arith.mulf %sub3A_324, %sub3A_324 : vector<16xf32>
      %add3A_326 = arith.addf %add3A_307, %mul3A_325 : vector<16xf32>
      %mul3A_327 = arith.constant 16 : i32
      %mul3A_328 = arith.muli %scan3A_23, %mul3A_327 : i32
      %add3A_329 = arith.constant 8192 : i32
      %add3A_330 = arith.addi %add3A_329, %mul3A_328 : i32
      %get3A_331 = arith.index_cast %add3A_330 : i32 to index
      %get3A_332 = tpu.vector_load %arg12[%get3A_331] {strides = array<i32>} : memref<16384xf32, #tpu.memory_space<vmem>>, vector<16xf32>,
      %mul3A_333 = arith.constant 16 : i32
      %mul3A_334 = arith.muli %scan3A_23, %mul3A_333 : i32
      %add3A_335 = arith.constant 8192 : i32
      %add3A_336 = arith.addi %add3A_335, %mul3A_334 : i32
      %get3A_337 = arith.index_cast %add3A_336 : i32 to index
      %get3A_338 = tpu.vector_load %arg13[%get3A_337] {strides = array<i32>} : memref<16384xf32, #tpu.memory_space<vmem>>, vector<16xf32>,
      %mul3A_339 = arith.mulf %get3A_332, %get3A_332 : vector<16xf32>
      %add3A_340 = arith.addf %add3A_321, %mul3A_339 : vector<16xf32>
      %mul3A_341 = arith.mulf %get3A_338, %get3A_338 : vector<16xf32>
      %add3A_342 = arith.addf %add3A_323, %mul3A_341 : vector<16xf32>
      %sub3A_343 = arith.subf %get3A_332, %get3A_338 : vector<16xf32>
      %mul3A_344 = arith.mulf %sub3A_343, %sub3A_343 : vector<16xf32>
      %add3A_345 = arith.addf %add3A_326, %mul3A_344 : vector<16xf32>
      %mul3A_346 = arith.constant 16 : i32
      %mul3A_347 = arith.muli %scan3A_23, %mul3A_346 : i32
      %add3A_348 = arith.constant 8704 : i32
      %add3A_349 = arith.addi %add3A_348, %mul3A_347 : i32
      %get3A_350 = arith.index_cast %add3A_349 : i32 to index
      %get3A_351 = tpu.vector_load %arg12[%get3A_350] {strides = array<i32>} : memref<16384xf32, #tpu.memory_space<vmem>>, vector<16xf32>,
      %mul3A_352 = arith.constant 16 : i32
      %mul3A_353 = arith.muli %scan3A_23, %mul3A_352 : i32
      %add3A_354 = arith.constant 8704 : i32
      %add3A_355 = arith.addi %add3A_354, %mul3A_353 : i32
      %get3A_356 = arith.index_cast %add3A_355 : i32 to index
      %get3A_357 = tpu.vector_load %arg13[%get3A_356] {strides = array<i32>} : memref<16384xf32, #tpu.memory_space<vmem>>, vector<16xf32>,
      %mul3A_358 = arith.mulf %get3A_351, %get3A_351 : vector<16xf32>
      %add3A_359 = arith.addf %add3A_340, %mul3A_358 : vector<16xf32>
      %mul3A_360 = arith.mulf %get3A_357, %get3A_357 : vector<16xf32>
      %add3A_361 = arith.addf %add3A_342, %mul3A_360 : vector<16xf32>
      %sub3A_362 = arith.subf %get3A_351, %get3A_357 : vector<16xf32>
      %mul3A_363 = arith.mulf %sub3A_362, %sub3A_362 : vector<16xf32>
      %add3A_364 = arith.addf %add3A_345, %mul3A_363 : vector<16xf32>
      %mul3A_365 = arith.constant 16 : i32
      %mul3A_366 = arith.muli %scan3A_23, %mul3A_365 : i32
      %add3A_367 = arith.constant 9216 : i32
      %add3A_368 = arith.addi %add3A_367, %mul3A_366 : i32
      %get3A_369 = arith.index_cast %add3A_368 : i32 to index
      %get3A_370 = tpu.vector_load %arg12[%get3A_369] {strides = array<i32>} : memref<16384xf32, #tpu.memory_space<vmem>>, vector<16xf32>,
      %mul3A_371 = arith.constant 16 : i32
      %mul3A_372 = arith.muli %scan3A_23, %mul3A_371 : i32
      %add3A_373 = arith.constant 9216 : i32
      %add3A_374 = arith.addi %add3A_373, %mul3A_372 : i32
      %get3A_375 = arith.index_cast %add3A_374 : i32 to index
      %get3A_376 = tpu.vector_load %arg13[%get3A_375] {strides = array<i32>} : memref<16384xf32, #tpu.memory_space<vmem>>, vector<16xf32>,
      %mul3A_377 = arith.mulf %get3A_370, %get3A_370 : vector<16xf32>
      %add3A_378 = arith.addf %add3A_359, %mul3A_377 : vector<16xf32>
      %mul3A_379 = arith.mulf %get3A_376, %get3A_376 : vector<16xf32>
      %add3A_380 = arith.addf %add3A_361, %mul3A_379 : vector<16xf32>
      %sub3A_381 = arith.subf %get3A_370, %get3A_376 : vector<16xf32>
      %mul3A_382 = arith.mulf %sub3A_381, %sub3A_381 : vector<16xf32>
      %add3A_383 = arith.addf %add3A_364, %mul3A_382 : vector<16xf32>
      %mul3A_384 = arith.constant 16 : i32
      %mul3A_385 = arith.muli %scan3A_23, %mul3A_384 : i32
      %add3A_386 = arith.constant 9728 : i32
      %add3A_387 = arith.addi %add3A_386, %mul3A_385 : i32
      %get3A_388 = arith.index_cast %add3A_387 : i32 to index
      %get3A_389 = tpu.vector_load %arg12[%get3A_388] {strides = array<i32>} : memref<16384xf32, #tpu.memory_space<vmem>>, vector<16xf32>,
      %mul3A_390 = arith.constant 16 : i32
      %mul3A_391 = arith.muli %scan3A_23, %mul3A_390 : i32
      %add3A_392 = arith.constant 9728 : i32
      %add3A_393 = arith.addi %add3A_392, %mul3A_391 : i32
      %get3A_394 = arith.index_cast %add3A_393 : i32 to index
      %get3A_395 = tpu.vector_load %arg13[%get3A_394] {strides = array<i32>} : memref<16384xf32, #tpu.memory_space<vmem>>, vector<16xf32>,
      %mul3A_396 = arith.mulf %get3A_389, %get3A_389 : vector<16xf32>
      %add3A_397 = arith.addf %add3A_378, %mul3A_396 : vector<16xf32>
      %mul3A_398 = arith.mulf %get3A_395, %get3A_395 : vector<16xf32>
      %add3A_399 = arith.addf %add3A_380, %mul3A_398 : vector<16xf32>
      %sub3A_400 = arith.subf %get3A_389, %get3A_395 : vector<16xf32>
      %mul3A_401 = arith.mulf %sub3A_400, %sub3A_400 : vector<16xf32>
      %add3A_402 = arith.addf %add3A_383, %mul3A_401 : vector<16xf32>
      %mul3A_403 = arith.constant 16 : i32
      %mul3A_404 = arith.muli %scan3A_23, %mul3A_403 : i32
      %add3A_405 = arith.constant 10240 : i32
      %add3A_406 = arith.addi %add3A_405, %mul3A_404 : i32
      %get3A_407 = arith.index_cast %add3A_406 : i32 to index
      %get3A_408 = tpu.vector_load %arg12[%get3A_407] {strides = array<i32>} : memref<16384xf32, #tpu.memory_space<vmem>>, vector<16xf32>,
      %mul3A_409 = arith.constant 16 : i32
      %mul3A_410 = arith.muli %scan3A_23, %mul3A_409 : i32
      %add3A_411 = arith.constant 10240 : i32
      %add3A_412 = arith.addi %add3A_411, %mul3A_410 : i32
      %get3A_413 = arith.index_cast %add3A_412 : i32 to index
      %get3A_414 = tpu.vector_load %arg13[%get3A_413] {strides = array<i32>} : memref<16384xf32, #tpu.memory_space<vmem>>, vector<16xf32>,
      %mul3A_415 = arith.mulf %get3A_408, %get3A_408 : vector<16xf32>
      %add3A_416 = arith.addf %add3A_397, %mul3A_415 : vector<16xf32>
      %mul3A_417 = arith.mulf %get3A_414, %get3A_414 : vector<16xf32>
      %add3A_418 = arith.addf %add3A_399, %mul3A_417 : vector<16xf32>
      %sub3A_419 = arith.subf %get3A_408, %get3A_414 : vector<16xf32>
      %mul3A_420 = arith.mulf %sub3A_419, %sub3A_419 : vector<16xf32>
      %add3A_421 = arith.addf %add3A_402, %mul3A_420 : vector<16xf32>
      %mul3A_422 = arith.constant 16 : i32
      %mul3A_423 = arith.muli %scan3A_23, %mul3A_422 : i32
      %add3A_424 = arith.constant 10752 : i32
      %add3A_425 = arith.addi %add3A_424, %mul3A_423 : i32
      %get3A_426 = arith.index_cast %add3A_425 : i32 to index
      %get3A_427 = tpu.vector_load %arg12[%get3A_426] {strides = array<i32>} : memref<16384xf32, #tpu.memory_space<vmem>>, vector<16xf32>,
      %mul3A_428 = arith.constant 16 : i32
      %mul3A_429 = arith.muli %scan3A_23, %mul3A_428 : i32
      %add3A_430 = arith.constant 10752 : i32
      %add3A_431 = arith.addi %add3A_430, %mul3A_429 : i32
      %get3A_432 = arith.index_cast %add3A_431 : i32 to index
      %get3A_433 = tpu.vector_load %arg13[%get3A_432] {strides = array<i32>} : memref<16384xf32, #tpu.memory_space<vmem>>, vector<16xf32>,
      %mul3A_434 = arith.mulf %get3A_427, %get3A_427 : vector<16xf32>
      %add3A_435 = arith.addf %add3A_416, %mul3A_434 : vector<16xf32>
      %mul3A_436 = arith.mulf %get3A_433, %get3A_433 : vector<16xf32>
      %add3A_437 = arith.addf %add3A_418, %mul3A_436 : vector<16xf32>
      %sub3A_438 = arith.subf %get3A_427, %get3A_433 : vector<16xf32>
      %mul3A_439 = arith.mulf %sub3A_438, %sub3A_438 : vector<16xf32>
      %add3A_440 = arith.addf %add3A_421, %mul3A_439 : vector<16xf32>
      %mul3A_441 = arith.constant 16 : i32
      %mul3A_442 = arith.muli %scan3A_23, %mul3A_441 : i32
      %add3A_443 = arith.constant 11264 : i32
      %add3A_444 = arith.addi %add3A_443, %mul3A_442 : i32
      %get3A_445 = arith.index_cast %add3A_444 : i32 to index
      %get3A_446 = tpu.vector_load %arg12[%get3A_445] {strides = array<i32>} : memref<16384xf32, #tpu.memory_space<vmem>>, vector<16xf32>,
      %mul3A_447 = arith.constant 16 : i32
      %mul3A_448 = arith.muli %scan3A_23, %mul3A_447 : i32
      %add3A_449 = arith.constant 11264 : i32
      %add3A_450 = arith.addi %add3A_449, %mul3A_448 : i32
      %get3A_451 = arith.index_cast %add3A_450 : i32 to index
      %get3A_452 = tpu.vector_load %arg13[%get3A_451] {strides = array<i32>} : memref<16384xf32, #tpu.memory_space<vmem>>, vector<16xf32>,
      %mul3A_453 = arith.mulf %get3A_446, %get3A_446 : vector<16xf32>
      %add3A_454 = arith.addf %add3A_435, %mul3A_453 : vector<16xf32>
      %mul3A_455 = arith.mulf %get3A_452, %get3A_452 : vector<16xf32>
      %add3A_456 = arith.addf %add3A_437, %mul3A_455 : vector<16xf32>
      %sub3A_457 = arith.subf %get3A_446, %get3A_452 : vector<16xf32>
      %mul3A_458 = arith.mulf %sub3A_457, %sub3A_457 : vector<16xf32>
      %add3A_459 = arith.addf %add3A_440, %mul3A_458 : vector<16xf32>
      %mul3A_460 = arith.constant 16 : i32
      %mul3A_461 = arith.muli %scan3A_23, %mul3A_460 : i32
      %add3A_462 = arith.constant 11776 : i32
      %add3A_463 = arith.addi %add3A_462, %mul3A_461 : i32
      %get3A_464 = arith.index_cast %add3A_463 : i32 to index
      %get3A_465 = tpu.vector_load %arg12[%get3A_464] {strides = array<i32>} : memref<16384xf32, #tpu.memory_space<vmem>>, vector<16xf32>,
      %mul3A_466 = arith.constant 16 : i32
      %mul3A_467 = arith.muli %scan3A_23, %mul3A_466 : i32
      %add3A_468 = arith.constant 11776 : i32
      %add3A_469 = arith.addi %add3A_468, %mul3A_467 : i32
      %get3A_470 = arith.index_cast %add3A_469 : i32 to index
      %get3A_471 = tpu.vector_load %arg13[%get3A_470] {strides = array<i32>} : memref<16384xf32, #tpu.memory_space<vmem>>, vector<16xf32>,
      %mul3A_472 = arith.mulf %get3A_465, %get3A_465 : vector<16xf32>
      %add3A_473 = arith.addf %add3A_454, %mul3A_472 : vector<16xf32>
      %mul3A_474 = arith.mulf %get3A_471, %get3A_471 : vector<16xf32>
      %add3A_475 = arith.addf %add3A_456, %mul3A_474 : vector<16xf32>
      %sub3A_476 = arith.subf %get3A_465, %get3A_471 : vector<16xf32>
      %mul3A_477 = arith.mulf %sub3A_476, %sub3A_476 : vector<16xf32>
      %add3A_478 = arith.addf %add3A_459, %mul3A_477 : vector<16xf32>
      %mul3A_479 = arith.constant 16 : i32
      %mul3A_480 = arith.muli %scan3A_23, %mul3A_479 : i32
      %add3A_481 = arith.constant 12288 : i32
      %add3A_482 = arith.addi %add3A_481, %mul3A_480 : i32
      %get3A_483 = arith.index_cast %add3A_482 : i32 to index
      %get3A_484 = tpu.vector_load %arg12[%get3A_483] {strides = array<i32>} : memref<16384xf32, #tpu.memory_space<vmem>>, vector<16xf32>,
      %mul3A_485 = arith.constant 16 : i32
      %mul3A_486 = arith.muli %scan3A_23, %mul3A_485 : i32
      %add3A_487 = arith.constant 12288 : i32
      %add3A_488 = arith.addi %add3A_487, %mul3A_486 : i32
      %get3A_489 = arith.index_cast %add3A_488 : i32 to index
      %get3A_490 = tpu.vector_load %arg13[%get3A_489] {strides = array<i32>} : memref<16384xf32, #tpu.memory_space<vmem>>, vector<16xf32>,
      %mul3A_491 = arith.mulf %get3A_484, %get3A_484 : vector<16xf32>
      %add3A_492 = arith.addf %add3A_473, %mul3A_491 : vector<16xf32>
      %mul3A_493 = arith.mulf %get3A_490, %get3A_490 : vector<16xf32>
      %add3A_494 = arith.addf %add3A_475, %mul3A_493 : vector<16xf32>
      %sub3A_495 = arith.subf %get3A_484, %get3A_490 : vector<16xf32>
      %mul3A_496 = arith.mulf %sub3A_495, %sub3A_495 : vector<16xf32>
      %add3A_497 = arith.addf %add3A_478, %mul3A_496 : vector<16xf32>
      %mul3A_498 = arith.constant 16 : i32
      %mul3A_499 = arith.muli %scan3A_23, %mul3A_498 : i32
      %add3A_500 = arith.constant 12800 : i32
      %add3A_501 = arith.addi %add3A_500, %mul3A_499 : i32
      %get3A_502 = arith.index_cast %add3A_501 : i32 to index
      %get3A_503 = tpu.vector_load %arg12[%get3A_502] {strides = array<i32>} : memref<16384xf32, #tpu.memory_space<vmem>>, vector<16xf32>,
      %mul3A_504 = arith.constant 16 : i32
      %mul3A_505 = arith.muli %scan3A_23, %mul3A_504 : i32
      %add3A_506 = arith.constant 12800 : i32
      %add3A_507 = arith.addi %add3A_506, %mul3A_505 : i32
      %get3A_508 = arith.index_cast %add3A_507 : i32 to index
      %get3A_509 = tpu.vector_load %arg13[%get3A_508] {strides = array<i32>} : memref<16384xf32, #tpu.memory_space<vmem>>, vector<16xf32>,
      %mul3A_510 = arith.mulf %get3A_503, %get3A_503 : vector<16xf32>
      %add3A_511 = arith.addf %add3A_492, %mul3A_510 : vector<16xf32>
      %mul3A_512 = arith.mulf %get3A_509, %get3A_509 : vector<16xf32>
      %add3A_513 = arith.addf %add3A_494, %mul3A_512 : vector<16xf32>
      %sub3A_514 = arith.subf %get3A_503, %get3A_509 : vector<16xf32>
      %mul3A_515 = arith.mulf %sub3A_514, %sub3A_514 : vector<16xf32>
      %add3A_516 = arith.addf %add3A_497, %mul3A_515 : vector<16xf32>
      %mul3A_517 = arith.constant 16 : i32
      %mul3A_518 = arith.muli %scan3A_23, %mul3A_517 : i32
      %add3A_519 = arith.constant 13312 : i32
      %add3A_520 = arith.addi %add3A_519, %mul3A_518 : i32
      %get3A_521 = arith.index_cast %add3A_520 : i32 to index
      %get3A_522 = tpu.vector_load %arg12[%get3A_521] {strides = array<i32>} : memref<16384xf32, #tpu.memory_space<vmem>>, vector<16xf32>,
      %mul3A_523 = arith.constant 16 : i32
      %mul3A_524 = arith.muli %scan3A_23, %mul3A_523 : i32
      %add3A_525 = arith.constant 13312 : i32
      %add3A_526 = arith.addi %add3A_525, %mul3A_524 : i32
      %get3A_527 = arith.index_cast %add3A_526 : i32 to index
      %get3A_528 = tpu.vector_load %arg13[%get3A_527] {strides = array<i32>} : memref<16384xf32, #tpu.memory_space<vmem>>, vector<16xf32>,
      %mul3A_529 = arith.mulf %get3A_522, %get3A_522 : vector<16xf32>
      %add3A_530 = arith.addf %add3A_511, %mul3A_529 : vector<16xf32>
      %mul3A_531 = arith.mulf %get3A_528, %get3A_528 : vector<16xf32>
      %add3A_532 = arith.addf %add3A_513, %mul3A_531 : vector<16xf32>
      %sub3A_533 = arith.subf %get3A_522, %get3A_528 : vector<16xf32>
      %mul3A_534 = arith.mulf %sub3A_533, %sub3A_533 : vector<16xf32>
      %add3A_535 = arith.addf %add3A_516, %mul3A_534 : vector<16xf32>
      %mul3A_536 = arith.constant 16 : i32
      %mul3A_537 = arith.muli %scan3A_23, %mul3A_536 : i32
      %add3A_538 = arith.constant 13824 : i32
      %add3A_539 = arith.addi %add3A_538, %mul3A_537 : i32
      %get3A_540 = arith.index_cast %add3A_539 : i32 to index
      %get3A_541 = tpu.vector_load %arg12[%get3A_540] {strides = array<i32>} : memref<16384xf32, #tpu.memory_space<vmem>>, vector<16xf32>,
      %mul3A_542 = arith.constant 16 : i32
      %mul3A_543 = arith.muli %scan3A_23, %mul3A_542 : i32
      %add3A_544 = arith.constant 13824 : i32
      %add3A_545 = arith.addi %add3A_544, %mul3A_543 : i32
      %get3A_546 = arith.index_cast %add3A_545 : i32 to index
      %get3A_547 = tpu.vector_load %arg13[%get3A_546] {strides = array<i32>} : memref<16384xf32, #tpu.memory_space<vmem>>, vector<16xf32>,
      %mul3A_548 = arith.mulf %get3A_541, %get3A_541 : vector<16xf32>
      %add3A_549 = arith.addf %add3A_530, %mul3A_548 : vector<16xf32>
      %mul3A_550 = arith.mulf %get3A_547, %get3A_547 : vector<16xf32>
      %add3A_551 = arith.addf %add3A_532, %mul3A_550 : vector<16xf32>
      %sub3A_552 = arith.subf %get3A_541, %get3A_547 : vector<16xf32>
      %mul3A_553 = arith.mulf %sub3A_552, %sub3A_552 : vector<16xf32>
      %add3A_554 = arith.addf %add3A_535, %mul3A_553 : vector<16xf32>
      %mul3A_555 = arith.constant 16 : i32
      %mul3A_556 = arith.muli %scan3A_23, %mul3A_555 : i32
      %add3A_557 = arith.constant 14336 : i32
      %add3A_558 = arith.addi %add3A_557, %mul3A_556 : i32
      %get3A_559 = arith.index_cast %add3A_558 : i32 to index
      %get3A_560 = tpu.vector_load %arg12[%get3A_559] {strides = array<i32>} : memref<16384xf32, #tpu.memory_space<vmem>>, vector<16xf32>,
      %mul3A_561 = arith.constant 16 : i32
      %mul3A_562 = arith.muli %scan3A_23, %mul3A_561 : i32
      %add3A_563 = arith.constant 14336 : i32
      %add3A_564 = arith.addi %add3A_563, %mul3A_562 : i32
      %get3A_565 = arith.index_cast %add3A_564 : i32 to index
      %get3A_566 = tpu.vector_load %arg13[%get3A_565] {strides = array<i32>} : memref<16384xf32, #tpu.memory_space<vmem>>, vector<16xf32>,
      %mul3A_567 = arith.mulf %get3A_560, %get3A_560 : vector<16xf32>
      %add3A_568 = arith.addf %add3A_549, %mul3A_567 : vector<16xf32>
      %mul3A_569 = arith.mulf %get3A_566, %get3A_566 : vector<16xf32>
      %add3A_570 = arith.addf %add3A_551, %mul3A_569 : vector<16xf32>
      %sub3A_571 = arith.subf %get3A_560, %get3A_566 : vector<16xf32>
      %mul3A_572 = arith.mulf %sub3A_571, %sub3A_571 : vector<16xf32>
      %add3A_573 = arith.addf %add3A_554, %mul3A_572 : vector<16xf32>
      %mul3A_574 = arith.constant 16 : i32
      %mul3A_575 = arith.muli %scan3A_23, %mul3A_574 : i32
      %add3A_576 = arith.constant 14848 : i32
      %add3A_577 = arith.addi %add3A_576, %mul3A_575 : i32
      %get3A_578 = arith.index_cast %add3A_577 : i32 to index
      %get3A_579 = tpu.vector_load %arg12[%get3A_578] {strides = array<i32>} : memref<16384xf32, #tpu.memory_space<vmem>>, vector<16xf32>,
      %mul3A_580 = arith.constant 16 : i32
      %mul3A_581 = arith.muli %scan3A_23, %mul3A_580 : i32
      %add3A_582 = arith.constant 14848 : i32
      %add3A_583 = arith.addi %add3A_582, %mul3A_581 : i32
      %get3A_584 = arith.index_cast %add3A_583 : i32 to index
      %get3A_585 = tpu.vector_load %arg13[%get3A_584] {strides = array<i32>} : memref<16384xf32, #tpu.memory_space<vmem>>, vector<16xf32>,
      %mul3A_586 = arith.mulf %get3A_579, %get3A_579 : vector<16xf32>
      %add3A_587 = arith.addf %add3A_568, %mul3A_586 : vector<16xf32>
      %mul3A_588 = arith.mulf %get3A_585, %get3A_585 : vector<16xf32>
      %add3A_589 = arith.addf %add3A_570, %mul3A_588 : vector<16xf32>
      %sub3A_590 = arith.subf %get3A_579, %get3A_585 : vector<16xf32>
      %mul3A_591 = arith.mulf %sub3A_590, %sub3A_590 : vector<16xf32>
      %add3A_592 = arith.addf %add3A_573, %mul3A_591 : vector<16xf32>
      %mul3A_593 = arith.constant 16 : i32
      %mul3A_594 = arith.muli %scan3A_23, %mul3A_593 : i32
      %add3A_595 = arith.constant 15360 : i32
      %add3A_596 = arith.addi %add3A_595, %mul3A_594 : i32
      %get3A_597 = arith.index_cast %add3A_596 : i32 to index
      %get3A_598 = tpu.vector_load %arg12[%get3A_597] {strides = array<i32>} : memref<16384xf32, #tpu.memory_space<vmem>>, vector<16xf32>,
      %mul3A_599 = arith.constant 16 : i32
      %mul3A_600 = arith.muli %scan3A_23, %mul3A_599 : i32
      %add3A_601 = arith.constant 15360 : i32
      %add3A_602 = arith.addi %add3A_601, %mul3A_600 : i32
      %get3A_603 = arith.index_cast %add3A_602 : i32 to index
      %get3A_604 = tpu.vector_load %arg13[%get3A_603] {strides = array<i32>} : memref<16384xf32, #tpu.memory_space<vmem>>, vector<16xf32>,
      %mul3A_605 = arith.mulf %get3A_598, %get3A_598 : vector<16xf32>
      %add3A_606 = arith.addf %add3A_587, %mul3A_605 : vector<16xf32>
      %mul3A_607 = arith.mulf %get3A_604, %get3A_604 : vector<16xf32>
      %add3A_608 = arith.addf %add3A_589, %mul3A_607 : vector<16xf32>
      %sub3A_609 = arith.subf %get3A_598, %get3A_604 : vector<16xf32>
      %mul3A_610 = arith.mulf %sub3A_609, %sub3A_609 : vector<16xf32>
      %add3A_611 = arith.addf %add3A_592, %mul3A_610 : vector<16xf32>
      %mul3A_612 = arith.constant 16 : i32
      %mul3A_613 = arith.muli %scan3A_23, %mul3A_612 : i32
      %add3A_614 = arith.constant 15872 : i32
      %add3A_615 = arith.addi %add3A_614, %mul3A_613 : i32
      %get3A_616 = arith.index_cast %add3A_615 : i32 to index
      %get3A_617 = tpu.vector_load %arg12[%get3A_616] {strides = array<i32>} : memref<16384xf32, #tpu.memory_space<vmem>>, vector<16xf32>,
      %mul3A_618 = arith.constant 16 : i32
      %mul3A_619 = arith.muli %scan3A_23, %mul3A_618 : i32
      %add3A_620 = arith.constant 15872 : i32
      %add3A_621 = arith.addi %add3A_620, %mul3A_619 : i32
      %get3A_622 = arith.index_cast %add3A_621 : i32 to index
      %get3A_623 = tpu.vector_load %arg13[%get3A_622] {strides = array<i32>} : memref<16384xf32, #tpu.memory_space<vmem>>, vector<16xf32>,
      %mul3A_624 = arith.mulf %get3A_617, %get3A_617 : vector<16xf32>
      %add3A_625 = arith.addf %add3A_606, %mul3A_624 : vector<16xf32>
      %mul3A_626 = arith.mulf %get3A_623, %get3A_623 : vector<16xf32>
      %add3A_627 = arith.addf %add3A_608, %mul3A_626 : vector<16xf32>
      %sub3A_628 = arith.subf %get3A_617, %get3A_623 : vector<16xf32>
      %mul3A_629 = arith.mulf %sub3A_628, %sub3A_628 : vector<16xf32>
      %add3A_630 = arith.addf %add3A_611, %mul3A_629 : vector<16xf32>
      %mul3A_631 = arith.constant 16 : i32
      %mul3A_632 = arith.muli %scan3A_23, %mul3A_631 : i32
      %get3A_633 = arith.index_cast %mul3A_632 : i32 to index
      %get3A_634 = tpu.vector_load %arg9[%get3A_633] {strides = array<i32>} : memref<512xf32, #tpu.memory_space<vmem>>, vector<16xf32>,
      %mul3A_635 = arith.constant 2.000000e+00 : f32
      %mul3A_636 = vector.broadcast %mul3A_635 : f32 to vector<16xf32>
      %mul3A_637 = arith.mulf %mul3A_636, %add3A_630 : vector<16xf32>
      %sub3A_638 = arith.constant 1.000000e+00 : f32
      %sub3A_639 = vector.broadcast %sub3A_638 : f32 to vector<16xf32>
      %sub3A_640 = arith.subf %sub3A_639, %add3A_625 : vector<16xf32>
      %sub3A_641 = arith.constant 1.000000e+00 : f32
      %sub3A_642 = vector.broadcast %sub3A_641 : f32 to vector<16xf32>
      %sub3A_643 = arith.subf %sub3A_642, %add3A_627 : vector<16xf32>
      %mul3A_644 = arith.mulf %sub3A_640, %sub3A_643 : vector<16xf32>
      %div3A = arith.divf %mul3A_637, %mul3A_644 : vector<16xf32>
      %add3A_645 = arith.constant 1.000000e+00 : f32
      %add3A_646 = vector.broadcast %add3A_645 : f32 to vector<16xf32>
      %add3A_647 = arith.addf %add3A_646, %div3A : vector<16xf32>
      %mul3A_648 = arith.mulf %add3A_647, %add3A_647 : vector<16xf32>
      %sub3A_649 = arith.constant 1.000000e+00 : f32
      %sub3A_650 = vector.broadcast %sub3A_649 : f32 to vector<16xf32>
      %sub3A_651 = arith.subf %mul3A_648, %sub3A_650 : vector<16xf32>
      %bitcast_convert_type3A = tpu.bitcast %sub3A_651 : vector<16xf32> -> vector<16xi32>
      %shift_right_logical3A = arith.constant 1 : i32
      %shift_right_logical3A_652 = vector.broadcast %shift_right_logical3A : i32 to vector<16xi32>
      %shift_right_logical3A_653 = arith.shrui %bitcast_convert_type3A, %shift_right_logical3A_652 : vector<16xi32>
      %sub3A_654 = arith.constant 1597463007 : i32
      %sub3A_655 = vector.broadcast %sub3A_654 : i32 to vector<16xi32>
      %sub3A_656 = arith.subi %sub3A_655, %shift_right_logical3A_653 : vector<16xi32>
      %bitcast_convert_type3A_657 = tpu.bitcast %sub3A_656 : vector<16xi32> -> vector<16xf32>
      %mul3A_658 = arith.constant 5.000000e-01 : f32
      %mul3A_659 = vector.broadcast %mul3A_658 : f32 to vector<16xf32>
      %mul3A_660 = arith.mulf %mul3A_659, %sub3A_651 : vector<16xf32>
      %mul3A_661 = arith.mulf %mul3A_660, %bitcast_convert_type3A_657 : vector<16xf32>
      %mul3A_662 = arith.mulf %mul3A_661, %bitcast_convert_type3A_657 : vector<16xf32>
      %sub3A_663 = arith.constant 1.500000e+00 : f32
      %sub3A_664 = vector.broadcast %sub3A_663 : f32 to vector<16xf32>
      %sub3A_665 = arith.subf %sub3A_664, %mul3A_662 : vector<16xf32>
      %mul3A_666 = arith.mulf %bitcast_convert_type3A_657, %sub3A_665 : vector<16xf32>
      %mul3A_667 = arith.constant 5.000000e-01 : f32
      %mul3A_668 = vector.broadcast %mul3A_667 : f32 to vector<16xf32>
      %mul3A_669 = arith.mulf %mul3A_668, %sub3A_651 : vector<16xf32>
      %mul3A_670 = arith.mulf %mul3A_669, %mul3A_666 : vector<16xf32>
      %mul3A_671 = arith.mulf %mul3A_670, %mul3A_666 : vector<16xf32>
      %sub3A_672 = arith.constant 1.500000e+00 : f32
      %sub3A_673 = vector.broadcast %sub3A_672 : f32 to vector<16xf32>
      %sub3A_674 = arith.subf %sub3A_673, %mul3A_671 : vector<16xf32>
      %mul3A_675 = arith.mulf %mul3A_666, %sub3A_674 : vector<16xf32>
      %mul3A_676 = arith.constant 5.000000e-01 : f32
      %mul3A_677 = vector.broadcast %mul3A_676 : f32 to vector<16xf32>
      %mul3A_678 = arith.mulf %mul3A_677, %sub3A_651 : vector<16xf32>
      %mul3A_679 = arith.mulf %mul3A_678, %mul3A_675 : vector<16xf32>
      %mul3A_680 = arith.mulf %mul3A_679, %mul3A_675 : vector<16xf32>
      %sub3A_681 = arith.constant 1.500000e+00 : f32
      %sub3A_682 = vector.broadcast %sub3A_681 : f32 to vector<16xf32>
      %sub3A_683 = arith.subf %sub3A_682, %mul3A_680 : vector<16xf32>
      %mul3A_684 = arith.mulf %mul3A_675, %sub3A_683 : vector<16xf32>
      %gt3A = arith.constant 0.000000e+00 : f32
      %gt3A_685 = vector.broadcast %gt3A : f32 to vector<16xf32>
      %gt3A_686 = arith.cmpf ogt, %sub3A_651, %gt3A_685 : vector<16xf32>
      %mul3A_687 = arith.mulf %sub3A_651, %mul3A_684 : vector<16xf32>
      %jit3A = arith.constant 0.000000e+00 : f32
      %broadcast_in_dim3A_688 = vector.broadcast %jit3A : f32 to vector<16xf32>
      %select_n3A = arith.select %gt3A_686, %mul3A_687, %broadcast_in_dim3A_688 : vector<16xi1>, vector<16xf32>
      %add3A_689 = arith.addf %add3A_647, %select_n3A : vector<16xf32>
      %bitcast_convert_type3A_690 = tpu.bitcast %add3A_689 : vector<16xf32> -> vector<16xi32>
      %shift_right_logical3A_691 = arith.constant 23 : i32
      %shift_right_logical3A_692 = vector.broadcast %shift_right_logical3A_691 : i32 to vector<16xi32>
      %shift_right_logical3A_693 = arith.shrui %bitcast_convert_type3A_690, %shift_right_logical3A_692 : vector<16xi32>
      %sub3A_694 = arith.constant 127 : i32
      %sub3A_695 = vector.broadcast %sub3A_694 : i32 to vector<16xi32>
      %sub3A_696 = arith.subi %shift_right_logical3A_693, %sub3A_695 : vector<16xi32>
      %and3A = arith.constant 8388607 : i32
      %and3A_697 = vector.broadcast %and3A : i32 to vector<16xi32>
      %and3A_698 = arith.andi %bitcast_convert_type3A_690, %and3A_697 : vector<16xi32>
      %or3A = arith.constant 1065353216 : i32
      %or3A_699 = vector.broadcast %or3A : i32 to vector<16xi32>
      %or3A_700 = arith.ori %and3A_698, %or3A_699 : vector<16xi32>
      %bitcast_convert_type3A_701 = tpu.bitcast %or3A_700 : vector<16xi32> -> vector<16xf32>
      %gt3A_702 = arith.constant 1.41421354 : f32
      %gt3A_703 = vector.broadcast %gt3A_702 : f32 to vector<16xf32>
      %gt3A_704 = arith.cmpf ogt, %bitcast_convert_type3A_701, %gt3A_703 : vector<16xf32>
      %mul3A_705 = arith.constant 5.000000e-01 : f32
      %mul3A_706 = vector.broadcast %mul3A_705 : f32 to vector<16xf32>
      %mul3A_707 = arith.mulf %mul3A_706, %bitcast_convert_type3A_701 : vector<16xf32>
      %select_n3A_708 = arith.select %gt3A_704, %mul3A_707, %bitcast_convert_type3A_701 : vector<16xi1>, vector<16xf32>
      %jit3A_709 = arith.constant 1 : i32
      %jit3A_710 = arith.constant 0 : i32
      %broadcast_in_dim3A_711 = vector.broadcast %jit3A_709 : i32 to vector<16xi32>
      %broadcast_in_dim3A_712 = vector.broadcast %jit3A_710 : i32 to vector<16xi32>
      %select_n3A_713 = arith.select %gt3A_704, %broadcast_in_dim3A_711, %broadcast_in_dim3A_712 : vector<16xi1>, vector<16xi32>
      %add3A_714 = arith.addi %sub3A_696, %select_n3A_713 : vector<16xi32>
      %convert_element_type3A = arith.sitofp %add3A_714 : vector<16xi32> to vector<16xf32>
      %sub3A_715 = arith.constant 1.000000e+00 : f32
      %sub3A_716 = vector.broadcast %sub3A_715 : f32 to vector<16xf32>
      %sub3A_717 = arith.subf %select_n3A_708, %sub3A_716 : vector<16xf32>
      %add3A_718 = arith.constant 1.000000e+00 : f32
      %add3A_719 = vector.broadcast %add3A_718 : f32 to vector<16xf32>
      %add3A_720 = arith.addf %select_n3A_708, %add3A_719 : vector<16xf32>
      %div3A_721 = arith.divf %sub3A_717, %add3A_720 : vector<16xf32>
      %mul3A_722 = arith.mulf %div3A_721, %div3A_721 : vector<16xf32>
      %mul3A_723 = arith.constant 0.222222224 : f32
      %mul3A_724 = vector.broadcast %mul3A_723 : f32 to vector<16xf32>
      %mul3A_725 = arith.mulf %mul3A_722, %mul3A_724 : vector<16xf32>
      %add3A_726 = arith.constant 0.285714298 : f32
      %add3A_727 = vector.broadcast %add3A_726 : f32 to vector<16xf32>
      %add3A_728 = arith.addf %add3A_727, %mul3A_725 : vector<16xf32>
      %mul3A_729 = arith.mulf %mul3A_722, %add3A_728 : vector<16xf32>
      %add3A_730 = arith.constant 4.000000e-01 : f32
      %add3A_731 = vector.broadcast %add3A_730 : f32 to vector<16xf32>
      %add3A_732 = arith.addf %add3A_731, %mul3A_729 : vector<16xf32>
      %mul3A_733 = arith.mulf %mul3A_722, %add3A_732 : vector<16xf32>
      %add3A_734 = arith.constant 0.666666686 : f32
      %add3A_735 = vector.broadcast %add3A_734 : f32 to vector<16xf32>
      %add3A_736 = arith.addf %add3A_735, %mul3A_733 : vector<16xf32>
      %mul3A_737 = arith.mulf %mul3A_722, %add3A_736 : vector<16xf32>
      %add3A_738 = arith.constant 2.000000e+00 : f32
      %add3A_739 = vector.broadcast %add3A_738 : f32 to vector<16xf32>
      %add3A_740 = arith.addf %add3A_739, %mul3A_737 : vector<16xf32>
      %mul3A_741 = arith.mulf %div3A_721, %add3A_740 : vector<16xf32>
      %mul3A_742 = arith.constant 0.693147182 : f32
      %mul3A_743 = vector.broadcast %mul3A_742 : f32 to vector<16xf32>
      %mul3A_744 = arith.mulf %convert_element_type3A, %mul3A_743 : vector<16xf32>
      %add3A_745 = arith.addf %mul3A_744, %mul3A_741 : vector<16xf32>
      %div3A_746 = arith.divf %add3A_745, %get3A_634 : vector<16xf32>
      %sub3A_747 = arith.constant 1.000000e+00 : f32
      %sub3A_748 = vector.broadcast %sub3A_747 : f32 to vector<16xf32>
      %sub3A_749 = arith.subf %div3A_746, %sub3A_748 : vector<16xf32>
      %sub3A_750 = arith.constant 1.000000e+00 : f32
      %sub3A_751 = vector.broadcast %sub3A_750 : f32 to vector<16xf32>
      %sub3A_752 = arith.subf %sub3A_751, %get3A_634 : vector<16xf32>
      %mul3A_753 = arith.constant 2.000000e+00 : f32
      %mul3A_754 = vector.broadcast %mul3A_753 : f32 to vector<16xf32>
      %mul3A_755 = arith.mulf %mul3A_754, %sub3A_752 : vector<16xf32>
      %exp3A = math.exp %mul3A_755 : vector<16xf32>
      %mul3A_756 = arith.mulf %exp3A, %sub3A_749 : vector<16xf32>
      %mul3A_757 = arith.mulf %mul3A_756, %sub3A_749 : vector<16xf32>
      %add3A_758 = arith.addf %scan3A_24, %mul3A_757 : vector<16xf32>
      scf.yield %add3A_758 : vector<16xf32>
    }
    %scan3A_21 = arith.constant 32 : i32
    %swap3A = arith.constant 0 : index
    %swap3A_22 = tpu.vector_load %arg14[%swap3A] {strides = array<i32>} : memref<16xf32, #tpu.memory_space<vmem>>, vector<16xf32>,
    tpu.vector_store %arg14[%swap3A], %scan3A_20 {strides = array<i32>} : memref<16xf32, #tpu.memory_space<vmem>>, vector<16xf32>,
    "tpu.region"() ({
      %run_scoped3A = tpu.sem_alloc : memref<!tpu.dma_semaphore, #tpu.memory_space<semaphore_mem>>
      %dma_start3A_23 = arith.constant 0 : i32
      %dma_start3A_24 = tpu.memref_slice %arg6[%add3A, %dma_start3A_23] : memref<32x16xf32, #tpu.memory_space<hbm>> -> memref<1x16xf32, #tpu.memory_space<hbm>>
      %dma_start3A_25 = tpu.memref_squeeze %dma_start3A_24 : memref<1x16xf32, #tpu.memory_space<hbm>> -> memref<16xf32, #tpu.memory_space<hbm>>
      %dma_start3A_26 = arith.constant 0 : i32
      %dma_start3A_27 = tpu.memref_slice %arg6[%add3A, %dma_start3A_26] : memref<32x16xf32, #tpu.memory_space<hbm>> -> memref<1x16xf32, #tpu.memory_space<hbm>>
      %dma_start3A_28 = tpu.memref_squeeze %dma_start3A_27 : memref<1x16xf32, #tpu.memory_space<hbm>> -> memref<16xf32, #tpu.memory_space<hbm>>
      tpu.enqueue_dma source(%arg14 : memref<16xf32, #tpu.memory_space<vmem>>) target(%dma_start3A_28 : memref<16xf32, #tpu.memory_space<hbm>>) target_semaphore(%run_scoped3A : memref<!tpu.dma_semaphore, #tpu.memory_space<semaphore_mem>>)
      %dma_wait3A_29 = arith.constant 0 : i32
      %dma_wait3A_30 = tpu.memref_slice %arg6[%add3A, %dma_wait3A_29] : memref<32x16xf32, #tpu.memory_space<hbm>> -> memref<1x16xf32, #tpu.memory_space<hbm>>
      %dma_wait3A_31 = tpu.memref_squeeze %dma_wait3A_30 : memref<1x16xf32, #tpu.memory_space<hbm>> -> memref<16xf32, #tpu.memory_space<hbm>>
      %dma_wait3A_32 = arith.constant 0 : i32
      %dma_wait3A_33 = tpu.memref_slice %arg6[%add3A, %dma_wait3A_32] : memref<32x16xf32, #tpu.memory_space<hbm>> -> memref<1x16xf32, #tpu.memory_space<hbm>>
      %dma_wait3A_34 = tpu.memref_squeeze %dma_wait3A_33 : memref<1x16xf32, #tpu.memory_space<hbm>> -> memref<16xf32, #tpu.memory_space<hbm>>
      tpu.wait_dma2 semaphore(%run_scoped3A : memref<!tpu.dma_semaphore, #tpu.memory_space<semaphore_mem>>) src(%arg14 : memref<16xf32, #tpu.memory_space<vmem>>) dst(%dma_wait3A_34 : memref<16xf32, #tpu.memory_space<hbm>>)
      tpu.yield
    }) : () -> ()
    return
  }
}

module attributes {stable_mosaic.version = 14 : i64} {
  func.func @sum_body(%arg0: memref<32x16xf32, #tpu.memory_space<vmem>>, %arg1: memref<1x1xf32, #tpu.memory_space<smem>>) attributes {dimension_semantics = [], scalar_prefetch = 0 : i64, scratch_operands = 0 : i64, tpu.core_type = #tpu.core_type<tc>} {
    %get3A = arith.constant 0 : index
    %get3A_0 = arith.constant 0 : index
    %get3A_1 = vector.load %arg0[%get3A, %get3A_0] : memref<32x16xf32, #tpu.memory_space<vmem>>, vector<32x16xf32>
    %reduce_sum3A = vector.shape_cast %get3A_1 : vector<32x16xf32> to vector<1x32x16xf32>
    %reduce_sum3A_2 = arith.constant dense<0.000000e+00> : vector<1xf32>
    %reduce_sum3A_3 = vector.multi_reduction <add>, %reduce_sum3A, %reduce_sum3A_2 [1, 2] : vector<1x32x16xf32> to vector<1xf32>
    %reduce_sum3A_4 = vector.shape_cast %reduce_sum3A_3 : vector<1xf32> to vector<1x1x1xf32>
    %reduce_sum3A_5 = vector.extract %reduce_sum3A_4[0, 0, 0] : f32 from vector<1x1x1xf32>
    %mul3A = arith.constant 2.00000194E-12 : f32
    %mul3A_6 = arith.mulf %reduce_sum3A_5, %mul3A : f32
    %swap3A = arith.constant 0 : index
    %swap3A_7 = arith.constant 0 : index
    %swap3A_8 = memref.load %arg1[%swap3A, %swap3A_7] : memref<1x1xf32, #tpu.memory_space<smem>>
    memref.store %mul3A_6, %arg1[%swap3A, %swap3A_7] : memref<1x1xf32, #tpu.memory_space<smem>>
    return
  }
}

module attributes {stable_mosaic.version = 14 : i64} {
  func.func @t_body(%arg0: i32, %arg1: memref<32x32768xf32, #tpu.memory_space<vmem>>, %arg2: memref<32x256x128xf32, #tpu.memory_space<vmem>>) attributes {dimension_semantics = [#tpu.dimension_semantics<arbitrary>], iteration_bounds = array<i64: 31>, scalar_prefetch = 0 : i64, scratch_operands = 0 : i64, tpu.core_type = #tpu.core_type<tc>, window_params = [{transform_indices = @transform_0, window_bounds = array<i64: 32, 32768>}, {transform_indices = @transform_1, window_bounds = array<i64: 32, 256, 128>}]} {
    %get3A = arith.constant 0 : index
    %get3A_0 = arith.constant 0 : index
    %get3A_1 = vector.load %arg1[%get3A, %get3A_0] : memref<32x32768xf32, #tpu.memory_space<vmem>>, vector<32x32768xf32>
    %reshape3A = vector.shape_cast %get3A_1 : vector<32x32768xf32> to vector<32x256x128xf32>
    %swap3A = arith.constant 0 : index
    %swap3A_2 = arith.constant 0 : index
    %swap3A_3 = arith.constant 0 : index
    %swap3A_4 = vector.load %arg2[%swap3A, %swap3A_2, %swap3A_3] : memref<32x256x128xf32, #tpu.memory_space<vmem>>, vector<32x256x128xf32>
    tpu.vector_store %arg2[%swap3A, %swap3A_2, %swap3A_3], %reshape3A {strides = array<i32>} : memref<32x256x128xf32, #tpu.memory_space<vmem>>, vector<32x256x128xf32>,
    return
  }
  func.func @transform_0(%arg0: i32) -> (i32, i32) {
    %c0_i32 = arith.constant 0 : i32
    %c0_i32_0 = arith.constant 0 : i32
    return %c0_i32, %arg0 : i32, i32
  }
  func.func @transform_1(%arg0: i32) -> (i32, i32, i32) {
    %c0_i32 = arith.constant 0 : i32
    %c0_i32_0 = arith.constant 0 : i32
    %c0_i32_1 = arith.constant 0 : i32
    return %c0_i32, %arg0, %c0_i32_0 : i32, i32, i32
  }
}

</mosaic_0001>

<sc_bundles>
// kernel: kernel.5.cloned.1.call-start
scs
__scs_entry_jumppad:
0x0: {  	(pc) =	sbr.rel $0x88, $3  }
0x1: {  	(tag) =	ssettag $0x0;
	lr =	simm.s32 $0x1  }
0x2: {  	[smem:$0x3F9E] =	sst lr;
	_ =	strace $0xD0000000  }
0x3: {  	_ = 	snop  }
0x4: {  	_ = 	snop  }
0x5: {  	_ = 	snop  }
0x6: {  	_ = 	snop  }
0x7: {  	_ = 	snop  }
__scs_overlays_trampoline_lowered:
0x8: {  	[smem:$0x3FAD] =	sst s0  }
0x9: {  	[smem:$0x3FAE] =	sst s1  }
0xa: {  	[smem:$0x3FAF] =	sst s2  }
0xb: {  	[smem:$0x3FB0] =	sst s3  }
0xc: {  	[smem:$0x3FB1] =	sst s4  }
0xd: {  	[smem:$0x3FB2] =	sst s5  }
0xe: {  	[smem:$0x3FB3] =	sst s6  }
0xf: {  	[smem:$0x3FB4] =	sst s7  }
0x10: {  	[smem:$0x3FB5] =	sst s8  }
0x11: {  	[smem:$0x3FB6] =	sst s9;
	s0 =	simm.s32 @!p0 $0x0  }
0x12: {  	s1 =	sld [smem:$0x3F9C];
	s0 =	simm.s32 @p0 $0x1  }
0x13: {  	[smem:$0x3FB7] =	sst s0;
	s0 =	simm.s32 @!p1 $0x0  }
0x14: {  	s2 =	sld [smem:$0x3F9B];
	s0 =	simm.s32 @p1 $0x1  }
0x15: {  	[smem:$0x3FB8] =	sst s0;
	s0 =	simm.s32 @!p2 $0x0  }
0x16: {  	s3 =	sld [smem:$0x3FDB];
	s0 =	simm.s32 @p2 $0x1  }
0x17: {  	s4 =	simm.s32 $0x1BF5;
	[smem:$0x3FBA] =	sst s0  }
0x18: {  	s0 =	sld [smem:$0x3F9D];
	_ =	swait.ge [sflag:s4], $0x0  }
0x19: {  	s7 =	sld [smem:$0x3F9E]  }
0x1a: {  	s8 =	sadd.s32 $0xFFFFE003, lr  }
0x1b: {  	s9 =	sadd.s32 $0xFFFFFEF7, lr;
	s5 =	simm.s32 $0xFFFFFFFF;
	p2 =	slt.u32 s8, $0xFFFFF086  }
0x1c: {  	p1 =	slt.u32 s9, $0xF7A;
	s5 =	simm.s32 @!p2 $0x0  }
0x1d: {  	s5 =	simm.s32 @p1 $0x1;
	p0 =	seq.s32 s7, s2  }
0x1e: {  	s7 =	smul.u32 @!p0 $0xF7A, s2;
	p2 =	seq.s32 @!p0 s5, $0x0  }
0x1f: {  	s9 =	smul.u32 $0xF7A, s1;
	s8 =	simm.s32 @!p0 $0x1BF5;
	p2 =	por !p2, p0  }
0x20: {  	[sflag:s8] =	ssyncset.s32 @!p0 $0xFFFFF086;
	s6 =	sadd.s32 @!p0 s3, s7;
	s7 =	simm.s32 @!p0 $0x108  }
0x21: {  	s3 =	sadd.s32 s3, s9;
	s6 =	sadd.s32 @!p0 $0x88, s6;
	s7 =	simm.s32 @p2 $0x1082  }
0x22: {  	[simem:s7], [sflag:s8] =	dma.local @!p0 [hbm:s6], $0xF7A  }
0x23: {  	s9 =	sor.u32 $0xD0000000, s2;
	s6 =	simm.s32 $0x108;
	_ =	swait.ge @!p0 [sflag:s8], $0x0  }
0x24: {  	s3 =	sadd.s32 $0x88, s3;
	s6 =	simm.s32 @!p1 $0x1082;
	[sflag:s4] =	ssyncset.s32 $0xFFFFF086  }
0x25: {  	[simem:s6], [sflag:s4] =	dma.local [hbm:s3], $0xF7A  }
0x26: {  	[smem:$0x3F9E] =	sst s1;
	(tag) =	ssettag s2;
	_ =	strace s9  }
0x27: {  	s1 =	sld [smem:$0x3FAE]  }
0x28: {  	s2 =	sld [smem:$0x3FAF]  }
0x29: {  	s4 =	sld [smem:$0x3FB1]  }
0x2a: {  	p0 =	seq.s32 s5, $0x0;
	s5 =	sld [smem:$0x3FB2]  }
0x2b: {  	s6 =	sld [smem:$0x3FB3]  }
0x2c: {  	s7 =	sld [smem:$0x3FB4]  }
0x2d: {  	s3 =	simm.s32 $0x108;
	s8 =	sld [smem:$0x3FB5]  }
0x2e: {  	s3 =	simm.s32 @!p0 $0x1082;
	s9 =	sld [smem:$0x3FB6]  }
0x2f: {  	lr =	sadd.s32 s0, s3;
	s0 =	sld [smem:$0x3FAD]  }
0x30: {  	s3 =	sld [smem:$0x3FB0]  }
0x31: {  	[smem:$0x3FB9] =	sst s10  }
0x32: {  	s10 =	sld [smem:$0x3FB7];
	_ =	sdelay $0x3  }
0x33: {  	p0 =	seq.s32 s10, $0x1;
	s10 =	sld [smem:$0x3FB9];
	_ =	sdelay $0x3  }
0x34: {  	[smem:$0x3FB9] =	sst s10  }
0x35: {  	s10 =	sld [smem:$0x3FB8];
	_ =	sdelay $0x3  }
0x36: {  	p1 =	seq.s32 s10, $0x1;
	s10 =	sld [smem:$0x3FB9];
	_ =	sdelay $0x3  }
0x37: {  	[smem:$0x3FB9] =	sst s10  }
0x38: {  	s10 =	sld [smem:$0x3FBA]  }
0x39: {  	_ = 	snop;
	(pc) =	sbr.ind lr, $3  }
0x3a: {  	_ = 	snop  }
0x3b: {  	_ = 	snop  }
0x3c: {  	p2 =	seq.s32 s10, $0x1;
	s10 =	sld [smem:$0x3FB9]  }
0x3d: {  	_ =	shalt  }
0x3e: {  	_ =	shalt  }
0x3f: {  	_ =	shalt  }
0x40: {  	_ =	shalt  }
0x41: {  	_ =	shalt  }
0x42: {  	_ =	shalt  }
0x43: {  	_ =	shalt  }
0x44: {  	_ =	shalt  }
0x45: {  	_ =	shalt  }
0x46: {  	_ =	shalt  }
0x47: {  	_ =	shalt  }
0x48: {  	_ =	shalt  }
0x49: {  	_ =	shalt  }
0x4a: {  	_ =	shalt  }
0x4b: {  	_ =	shalt  }
0x4c: {  	_ =	shalt  }
0x4d: {  	_ =	shalt  }
0x4e: {  	_ =	shalt  }
0x4f: {  	_ =	shalt  }
0x50: {  	_ =	shalt  }
0x51: {  	_ =	shalt  }
0x52: {  	_ =	shalt  }
0x53: {  	_ =	shalt  }
0x54: {  	_ =	shalt  }
0x55: {  	_ =	shalt  }
0x56: {  	_ =	shalt  }
0x57: {  	_ =	shalt  }
0x58: {  	_ =	shalt  }
0x59: {  	_ =	shalt  }
0x5a: {  	_ =	shalt  }
0x5b: {  	_ =	shalt  }
0x5c: {  	_ =	shalt  }
0x5d: {  	_ =	shalt  }
0x5e: {  	_ =	shalt  }
0x5f: {  	_ =	shalt  }
0x60: {  	_ =	shalt  }
0x61: {  	_ =	shalt  }
0x62: {  	_ =	shalt  }
0x63: {  	_ =	shalt  }
0x64: {  	_ =	shalt  }
0x65: {  	_ =	shalt  }
0x66: {  	_ =	shalt  }
0x67: {  	_ =	shalt  }
0x68: {  	_ =	shalt  }
0x69: {  	_ =	shalt  }
0x6a: {  	_ =	shalt  }
0x6b: {  	_ =	shalt  }
0x6c: {  	_ =	shalt  }
0x6d: {  	_ =	shalt  }
0x6e: {  	_ =	shalt  }
0x6f: {  	_ =	shalt  }
0x70: {  	_ =	shalt  }
0x71: {  	_ =	shalt  }
0x72: {  	_ =	shalt  }
0x73: {  	_ =	shalt  }
0x74: {  	_ =	shalt  }
0x75: {  	_ =	shalt  }
0x76: {  	_ =	shalt  }
0x77: {  	_ =	shalt  }
0x78: {  	_ =	shalt  }
0x79: {  	_ =	shalt  }
0x7a: {  	_ =	shalt  }
0x7b: {  	_ =	shalt  }
0x7c: {  	_ =	shalt  }
0x7d: {  	_ =	shalt  }
0x7e: {  	_ =	shalt  }
0x7f: {  	_ =	shalt  }
0x80: {  	_ =	shalt  }
0x81: {  	_ =	shalt  }
0x82: {  	_ =	shalt  }
0x83: {  	_ =	shalt  }
0x84: {  	_ =	shalt  }
0x85: {  	_ =	shalt  }
0x86: {  	_ =	shalt  }
0x87: {  	_ =	shalt  }
.Lfunc_end0:
.L_simem_size_0:
called_computation_lowered:
.L_overlay_start_0:
0x88: {  	s2 =	sld [smem:$0x3FD9]  }
0x89: {  	s3 =	sld [smem:$0x3FFE];
	_ =	sdelay $0x1  }
0x8a: {  	s1 =	srdreg.scid  }
0x8b: {  	s0 =	sand.u32 $0x1, s1  }
0x8c: {  	s17 =	sshll.u32 s0, $0xA;
	s2 =	sadd.s32 s3, s2  }
0x8d: {  	s2 =	sadd.s32 s2, s17  }
0x8e: {  	[smem:$0x3FC5] =	sst s2  }
0x8f: {  	_ = 	snop  }
0x90: {  	s2 =	sld [smem:$0x3FC8];
	(tm) =	ssettm $0x1  }
0x91: {  	s18 =	sld [smem:$0x3FFB];
	_ =	sdelay $0x3  }
0x92: {  	_ =	strace s18  }
0x93: {  	s3 =	sld [smem:$0x3FFC];
	_ =	sdelay $0x3  }
0x94: {  	_ =	strace s3  }
0x95: {  	s3 =	sld [smem:$0x3FFD];
	_ =	sdelay $0x3  }
0x96: {  	_ =	strace s3  }
0x97: {  	_ =	strace $0x8FFFFFFF  }
0x98: {  	s19 =	sld [smem:$0x3FDB];
	_ =	sdelay $0x1  }
0x99: {  	s4 =	simm.s32 $_scs_section_size  }
0x9a: {  	s5 =	simm.s32 $_size__tile_overlayer_lowered;
	s6 =	simm.s32 $_tile_overlayer_lowered  }
0x9b: {  	s22 =	simm.s32 $0x1BFF;
	s21 =	sshll.u32 s6, $0x1;
	s3 =	sadd.s32 s4, s19  }
0x9c: {  	s7 =	simm.s32 $0x0;
	s20 =	sshll.u32 s5, $0x1;
	s5 =	sadd.s32 s21, s3  }
0x9d: {  	[timem:s7], [sflag:s22] =	dma.local [hbm:s5], s20  }
0x9e: {  	_ =	swait.ge [sflag:s22], s20  }
0x9f: {  	s4 =	ssub.s32 $0x0, s20;
	[sflag:s22] =	ssyncset.done $0x0  }
0xa0: {  	[sflag:s22] =	ssyncadd.s32 s4;
	_ =	sdelay $0x1  }
0xa1: {  	s23 =	simm.s32 $0x1B8B  }
0xa2: {  	_ =	swait.ge [sflag:s23], $0x1  }
0xa3: {  	[sflag:s23] =	ssyncset.done $0x0  }
0xa4: {  	s25 =	simm.s32 $0x1B8E;
	s24 =	sld [smem:$0x3FFE];
	[sflag:s23] =	ssyncadd.s32 $0xFFFFFFFF  }
0xa5: {  	s26 =	simm.s32 $execute0_lowered;
	[smem:$0x3FD2] =	sst s25  }
0xa6: {  	s5 =	sshll.u32 s26, $0x1;
	_ =	strace $0x80000046;
	[dreg:$0x1] =	wrdreg $0xFFFFFFFF  }
0xa7: {  	s28 =	simm.s32 $_size_execute0_lowered;
	s3 =	sadd.s32 s3, s5;
	[dreg:$0x0] =	wrdreg $0x0  }
0xa8: {  	s5 =	sshll.u32 s28, $0x1;
	[dreg:$0x2] =	wrdreg s3  }
0xa9: {  	[dreg:$0x3] =	wrdreg s5  }
0xaa: {  	[dreg:$0x4] =	wrdreg $0xC0  }
0xab: {  	_ =	task [dreg:s7], $0x5FFFF  }
0xac: {  	[dreg:$0x1] =	wrdreg $0xFFFFFFFF  }
0xad: {  	[dreg:$0x0] =	wrdreg $0x60  }
0xae: {  	[dreg:$0x2] =	wrdreg s24  }
0xaf: {  	[dreg:$0x3] =	wrdreg s2  }
0xb0: {  	[dreg:$0x4] =	wrdreg $0x9  }
0xb1: {  	_ =	task.clear_ibuf [dreg:s7], $0x5FFFF;
	_ =	strace $0x90000046  }
0xb2: {  	s29 =	simm.s32 $0x9;
	_ =	strace $0x80000048  }
0xb3: {  	_ =	swait.ge [sflag:s29], $0x1  }
0xb4: {  	[sflag:s29] =	ssyncadd.s32 $0xFFFFFFFF  }
0xb5: {  	_ =	strace $0x90000048  }
0xb6: {  	_ =	sfence  }
0xb7: {  	s30 =	sld [smem:$0x0];
	_ =	sdelay $0x2  }
0xb8: {  	s31 =	sshll.u32 s1, $0xD;
	s1 =	sshrl.u32 s1, $0x2  }
0xb9: {  	s3 =	sand.u32 $0x4000, s31;
	s1 =	sadd.s32 s1, s30  }
0xba: {  	s0 =	sor.u32 s3, s0;
	s1 =	sshll.u32 s1, $0x11  }
0xbb: {  	s0 =	sor.u32 s1, s0  }
0xbc: {  	s0 =	sadd.s32 $0x8F2B, s0  }
0xbd: {  	[sflag:s0] =	ssyncadd.remote.s32 $0x1  }
0xbe: {  	_ =	sfence.sel $0xFFFF  }
0xbf: {  	[dreg:$0x0] =	wrdreg $0xFFFFFFFF;
	(pc) =	sbr.abs _section_cstart, $3  }
0xc0: {  	[dreg:$0x1] =	wrdreg $0xFFFFFFFF  }
0xc1: {  	_ =	task.clear_ibuf [dreg:s7], $0x2FFFF;
	_ =	strace $0x9FFFFFFF  }
0xc2: {  	(tm) =	ssettm $0x7FFFFFFF  }
0xc3: {  	_ =	shalt  }
tec
execute0_lowered:
.L_overlay_start_1:
0x0: {  	(tag) =	ssettag $0x1  }
0x1: {  	s4 =	rddreg [dreg:$0x0]  }
0x2: {  	s6 =	rddreg [dreg:$0x1]  }
0x3: {  	s0 =	rddreg [dreg:$0x2]  }
0x4: {  	s3 =	srdreg.scid;
	s1 =	stileid.u32;
	s2 =	simm.s32 $0x0  }
0x5: {  	s11 =	simm.s32 $0x400;
	s12 =	simm.s32 $0x4000;
	s13 =	simm.s32 $0x600  }
0x6: {  	s14 =	simm.s32 $0x8600;
	s15 =	simm.s32 $0x4600;
	s16 =	simm.s32 $0xC600  }
0x7: {  	s17 =	simm.s32 $0x1;
	s18 =	simm.s32 $0x2;
	s19 =	simm.s32 $0x10600  }
0x8: {  	s3 =	sand.u32 $0x1, s3;
	s5 =	sshll.u32 s1, $0x1;
	[smem:$0x7FF] =	sst s2  }
0x9: {  	s20 =	simm.s32 $0x0;
	s5 =	sor.u32 s3, s5;
	_ =	strace $0x80000047  }
0xa: {  	s9 =	ssub.s32 $0x2, s3;
	s3 =	sadd.s32 $0x1600, s4;
	s7 =	sshll.u32 s5, $0x6  }
0xb: {  	s5 =	sshll.u32 s5, $0x1;
	s31 =	sshrl.u32 s9, $0x1;
	s8 =	sadd.s32 s7, s4  }
0xc: {  	s10 =	sadd.s32 s5, s4;
	s9 =	ssub.s32 s9, s31;
	s6 =	sadd.s32 s6, s7  }
0xd: {  	s4 =	sadd.s32 $0xE00, s8;
	s5 =	sadd.s32 $0x600, s8;
	s7 =	sadd.s32 $0x3E1600, s10  }
0xe: {  	s8 =	smax.u32 s9, $0x1;
	s9 =	simm.s32 $0x3;
	s10 =	simm.s32 $0x200  }
.LBB2_1:
0xf: {  	[tilespmem:s2], [sflag:$0x3] =	stream.linear.gather [hbm4b:s4+s2], $0x200, $0x38;
	[tilespmem:$0x10610] =	vst v63  }
0x10: {  	_ =	swait.ge [sflag:s9], $0x200  }
0x11: {  	[sflag:s9] =	ssyncset.done $0x0  }
0x12: {  	[sflag:s9] =	ssyncadd.s32 $0xFFFFFE00  }
0x13: {  	[tilespmem:s10], [sflag:$0x3] =	stream.linear.gather [hbm4b:s5+s2], $0x200, $0x38;
	[tilespmem:$0x10610] =	vst v63  }
0x14: {  	_ =	swait.ge [sflag:s9], $0x200  }
0x15: {  	[sflag:s9] =	ssyncset.done $0x0  }
0x16: {  	[sflag:s9] =	ssyncadd.s32 $0xFFFFFE00  }
0x17: {  	[tilespmem:s11], [sflag:$0x3] =	stream.linear.gather [hbm4b:s6+s2], $0x200, $0x38;
	[tilespmem:$0x10610] =	vst v63  }
0x18: {  	_ =	swait.ge [sflag:s9], $0x200  }
0x19: {  	[sflag:s9] =	ssyncset.done $0x0  }
0x1a: {  	s21 =	simm.s32 $0x0;
	[sflag:s9] =	ssyncadd.s32 $0xFFFFFE00  }
0x1b: {  	v3 =	vld [tilespmem:s21+$0x200]  }
0x1c: {  	v1 =	vld [tilespmem:s21+$0x0];
	_ =	sdelay $0x3  }
0x1d: {  	[tilespmem:s21+$0x4600] =	vst v3;
	v0 =	vadd.s32 $0x1E08000, v3  }
0x1e: {  	v2 =	vadd.s32 $0xF8000, v1;
	[tilespmem:s21+$0x8400] =	vst v0  }
0x1f: {  	v4 =	vadd.s32 $0x1B20000, v3;
	[tilespmem:s21+$0x800] =	vst v2  }
0x20: {  	v5 =	vadd.s32 $0x1C18000, v1;
	[tilespmem:s21+$0x7E00] =	vst v4  }
0x21: {  	v0 =	vadd.s32 $0xF8000, v3;
	[tilespmem:s21+$0x4000] =	vst v5  }
0x22: {  	v2 =	vadd.s32 $0x1F0000, v1;
	[tilespmem:s21+$0x4800] =	vst v0  }
0x23: {  	v0 =	vadd.s32 $0x1F0000, v3;
	[tilespmem:s21+$0xA00] =	vst v2  }
0x24: {  	v2 =	vadd.s32 $0x2E8000, v1;
	[tilespmem:s21+$0x4A00] =	vst v0  }
0x25: {  	v0 =	vadd.s32 $0x2E8000, v3;
	[tilespmem:s21+$0xC00] =	vst v2  }
0x26: {  	v2 =	vadd.s32 $0x3E0000, v1;
	[tilespmem:s21+$0x4C00] =	vst v0  }
0x27: {  	v0 =	vadd.s32 $0x3E0000, v3;
	[tilespmem:s21+$0xE00] =	vst v2  }
0x28: {  	v2 =	vadd.s32 $0x4D8000, v1;
	[tilespmem:s21+$0x4E00] =	vst v0  }
0x29: {  	v0 =	vadd.s32 $0x4D8000, v3;
	[tilespmem:s21+$0x1000] =	vst v2  }
0x2a: {  	v2 =	vadd.s32 $0x5D0000, v1;
	[tilespmem:s21+$0x5000] =	vst v0  }
0x2b: {  	v0 =	vadd.s32 $0x5D0000, v3;
	[tilespmem:s21+$0x1200] =	vst v2  }
0x2c: {  	v2 =	vadd.s32 $0x6C8000, v1;
	[tilespmem:s21+$0x5200] =	vst v0  }
0x2d: {  	v0 =	vadd.s32 $0x6C8000, v3;
	[tilespmem:s21+$0x1400] =	vst v2  }
0x2e: {  	v2 =	vadd.s32 $0x7C0000, v1;
	[tilespmem:s21+$0x5400] =	vst v0  }
0x2f: {  	v0 =	vadd.s32 $0x7C0000, v3;
	[tilespmem:s21+$0x1600] =	vst v2  }
0x30: {  	v2 =	vadd.s32 $0x8B8000, v1;
	[tilespmem:s21+$0x5600] =	vst v0  }
0x31: {  	v0 =	vadd.s32 $0x8B8000, v3;
	[tilespmem:s21+$0x1800] =	vst v2  }
0x32: {  	v2 =	vadd.s32 $0x9B0000, v1;
	[tilespmem:s21+$0x5800] =	vst v0  }
0x33: {  	v0 =	vadd.s32 $0x9B0000, v3;
	[tilespmem:s21+$0x1A00] =	vst v2  }
0x34: {  	v2 =	vadd.s32 $0xAA8000, v1;
	[tilespmem:s21+$0x5A00] =	vst v0  }
0x35: {  	v0 =	vadd.s32 $0xAA8000, v3;
	[tilespmem:s21+$0x1C00] =	vst v2  }
0x36: {  	v2 =	vadd.s32 $0xBA0000, v1;
	[tilespmem:s21+$0x5C00] =	vst v0  }
0x37: {  	v0 =	vadd.s32 $0xBA0000, v3;
	[tilespmem:s21+$0x1E00] =	vst v2  }
0x38: {  	v2 =	vadd.s32 $0xC98000, v1;
	[tilespmem:s21+$0x5E00] =	vst v0  }
0x39: {  	v0 =	vadd.s32 $0xC98000, v3;
	[tilespmem:s21+$0x2000] =	vst v2  }
0x3a: {  	v2 =	vadd.s32 $0xD90000, v1;
	[tilespmem:s21+$0x6000] =	vst v0  }
0x3b: {  	v0 =	vadd.s32 $0xD90000, v3;
	[tilespmem:s21+$0x2200] =	vst v2  }
0x3c: {  	v2 =	vadd.s32 $0xE88000, v1;
	[tilespmem:s21+$0x6200] =	vst v0  }
0x3d: {  	v0 =	vadd.s32 $0xE88000, v3;
	[tilespmem:s21+$0x2400] =	vst v2  }
0x3e: {  	v2 =	vadd.s32 $0xF80000, v1;
	[tilespmem:s21+$0x6400] =	vst v0  }
0x3f: {  	v0 =	vadd.s32 $0xF80000, v3;
	[tilespmem:s21+$0x2600] =	vst v2  }
0x40: {  	v2 =	vadd.s32 $0x1078000, v1;
	[tilespmem:s21+$0x6600] =	vst v0  }
0x41: {  	v0 =	vadd.s32 $0x1078000, v3;
	[tilespmem:s21+$0x2800] =	vst v2  }
0x42: {  	v2 =	vadd.s32 $0x1170000, v1;
	[tilespmem:s21+$0x6800] =	vst v0  }
0x43: {  	v0 =	vadd.s32 $0x1170000, v3;
	[tilespmem:s21+$0x2A00] =	vst v2  }
0x44: {  	v2 =	vadd.s32 $0x1268000, v1;
	[tilespmem:s21+$0x6A00] =	vst v0  }
0x45: {  	v0 =	vadd.s32 $0x1268000, v3;
	[tilespmem:s21+$0x2C00] =	vst v2  }
0x46: {  	v2 =	vadd.s32 $0x1360000, v1;
	[tilespmem:s21+$0x6C00] =	vst v0  }
0x47: {  	v0 =	vadd.s32 $0x1360000, v3;
	[tilespmem:s21+$0x2E00] =	vst v2  }
0x48: {  	v2 =	vadd.s32 $0x1458000, v1;
	[tilespmem:s21+$0x6E00] =	vst v0  }
0x49: {  	v0 =	vadd.s32 $0x1458000, v3;
	[tilespmem:s21+$0x3000] =	vst v2  }
0x4a: {  	v2 =	vadd.s32 $0x1550000, v1;
	[tilespmem:s21+$0x7000] =	vst v0  }
0x4b: {  	v0 =	vadd.s32 $0x1550000, v3;
	[tilespmem:s21+$0x3200] =	vst v2  }
0x4c: {  	v2 =	vadd.s32 $0x1648000, v1;
	[tilespmem:s21+$0x7200] =	vst v0  }
0x4d: {  	v0 =	vadd.s32 $0x1648000, v3;
	[tilespmem:s21+$0x3400] =	vst v2  }
0x4e: {  	v2 =	vadd.s32 $0x1740000, v1;
	[tilespmem:s21+$0x7400] =	vst v0  }
0x4f: {  	v0 =	vadd.s32 $0x1740000, v3;
	[tilespmem:s21+$0x3600] =	vst v2  }
0x50: {  	v2 =	vadd.s32 $0x1838000, v1;
	[tilespmem:s21+$0x7600] =	vst v0  }
0x51: {  	v0 =	vadd.s32 $0x1838000, v3;
	[tilespmem:s21+$0x3800] =	vst v2  }
0x52: {  	v2 =	vadd.s32 $0x1930000, v1;
	[tilespmem:s21+$0x7800] =	vst v0  }
0x53: {  	v0 =	vadd.s32 $0x1930000, v3;
	[tilespmem:s21+$0x3A00] =	vst v2  }
0x54: {  	v2 =	vadd.s32 $0x1A28000, v1;
	[tilespmem:s21+$0x7A00] =	vst v0  }
0x55: {  	v0 =	vadd.s32 $0x1A28000, v3;
	[tilespmem:s21+$0x3C00] =	vst v2  }
0x56: {  	v4 =	vadd.s32 $0x1D10000, v3;
	v2 =	vadd.s32 $0x1B20000, v1;
	[tilespmem:s21+$0x7C00] =	vst v0  }
0x57: {  	s23 =	simm.s32 $0x10;
	s22 =	simm.s32 $0x80;
	[tilespmem:s21+$0x3E00] =	vst v2;
	v0 =	vadd.s32 $0x1C18000, v3;
	v2 =	vadd.s32 $0x1D10000, v1;
	v3 =	vadd.s32 $0x1E08000, v1  }
.LBB2_2:
0x58: {  	p0 =	sne.s32 s22, $0x7C0;
	v5 =	vld [tilespmem:s23+$0x200];
	[tilespmem:s21+$0x8000] =	vst v0  }
0x59: {  	v0 =	vld [tilespmem:s23+$0x0];
	[tilespmem:s21+$0x4200] =	vst v2  }
0x5a: {  	[tilespmem:s21+$0x8200] =	vst v4  }
0x5b: {  	[tilespmem:s21+$0x4400] =	vst v3  }
0x5c: {  	[tilespmem:s21+$0x600] =	vst v1;
	s21 =	smov.u32 s23  }
0x5d: {  	[tilespmem:s21+$0x4600] =	vst v5;
	v2 =	vadd.s32 $0xF8000, v5;
	v3 =	vadd.s32 $0x1F0000, v5;
	v8 =	vadd.s32 $0x1E08000, v5  }
0x5e: {  	v4 =	vadd.s32 $0xF8000, v0;
	v6 =	vadd.s32 $0x1F0000, v0;
	v7 =	vadd.s32 $0x2E8000, v0;
	[tilespmem:s21+$0x8400] =	vst v8;
	v1 =	vmovc v0  }
0x5f: {  	v0 =	vadd.s32 $0x2E8000, v5;
	v8 =	vadd.s32 $0x3E0000, v5;
	[tilespmem:s21+$0x800] =	vst v4;
	v4 =	vadd.s32 $0x3E0000, v1  }
0x60: {  	v9 =	vadd.s32 $0x4D8000, v5;
	v10 =	vadd.s32 $0x5D0000, v1;
	[tilespmem:s21+$0x4800] =	vst v2;
	v2 =	vadd.s32 $0x4D8000, v1  }
0x61: {  	v12 =	vadd.s32 $0x6C8000, v5;
	v11 =	vadd.s32 $0x6C8000, v1;
	[tilespmem:s21+$0xA00] =	vst v6;
	v6 =	vadd.s32 $0x5D0000, v5  }
0x62: {  	v13 =	vadd.s32 $0x7C0000, v5;
	v14 =	vadd.s32 $0x8B8000, v1;
	[tilespmem:s21+$0x4A00] =	vst v3;
	v3 =	vadd.s32 $0x7C0000, v1  }
0x63: {  	v16 =	vadd.s32 $0x9B0000, v5;
	v15 =	vadd.s32 $0x9B0000, v1;
	[tilespmem:s21+$0xC00] =	vst v7;
	v7 =	vadd.s32 $0x8B8000, v5  }
0x64: {  	v18 =	vadd.s32 $0xAA8000, v5;
	v17 =	vadd.s32 $0xAA8000, v1;
	v19 =	vadd.s32 $0xBA0000, v1;
	[tilespmem:s21+$0x4C00] =	vst v0  }
0x65: {  	v20 =	vadd.s32 $0xBA0000, v5;
	v22 =	vadd.s32 $0xC98000, v5;
	v21 =	vadd.s32 $0xC98000, v1;
	[tilespmem:s21+$0xE00] =	vst v4  }
0x66: {  	v23 =	vadd.s32 $0xD90000, v5;
	v24 =	vadd.s32 $0xE88000, v1;
	[tilespmem:s21+$0x4E00] =	vst v8;
	v8 =	vadd.s32 $0xD90000, v1  }
0x67: {  	v25 =	vadd.s32 $0xE88000, v5;
	v27 =	vadd.s32 $0xF80000, v5;
	v26 =	vadd.s32 $0xF80000, v1;
	[tilespmem:s21+$0x1000] =	vst v2  }
0x68: {  	v28 =	vadd.s32 $0x1078000, v5;
	v29 =	vadd.s32 $0x1170000, v1;
	[tilespmem:s21+$0x5000] =	vst v9;
	v9 =	vadd.s32 $0x1078000, v1  }
0x69: {  	v31 =	vadd.s32 $0x1268000, v5;
	v30 =	vadd.s32 $0x1268000, v1;
	[tilespmem:s21+$0x1200] =	vst v10;
	v10 =	vadd.s32 $0x1170000, v5  }
0x6a: {  	v32 =	vadd.s32 $0x1360000, v5;
	v33 =	vadd.s32 $0x1458000, v1;
	[tilespmem:s21+$0x5200] =	vst v6;
	v6 =	vadd.s32 $0x1360000, v1  }
0x6b: {  	v35 =	vadd.s32 $0x1550000, v5;
	v34 =	vadd.s32 $0x1550000, v1;
	[tilespmem:s21+$0x1400] =	vst v11;
	v11 =	vadd.s32 $0x1458000, v5  }
0x6c: {  	v36 =	vadd.s32 $0x1648000, v5;
	v37 =	vadd.s32 $0x1740000, v1;
	[tilespmem:s21+$0x5400] =	vst v12;
	v12 =	vadd.s32 $0x1648000, v1  }
0x6d: {  	v38 =	vadd.s32 $0x1740000, v5;
	v40 =	vadd.s32 $0x1838000, v5;
	v39 =	vadd.s32 $0x1838000, v1;
	[tilespmem:s21+$0x1600] =	vst v3  }
0x6e: {  	v41 =	vadd.s32 $0x1930000, v5;
	v42 =	vadd.s32 $0x1A28000, v1;
	[tilespmem:s21+$0x5600] =	vst v13;
	v13 =	vadd.s32 $0x1930000, v1  }
0x6f: {  	v44 =	vadd.s32 $0x1B20000, v5;
	v43 =	vadd.s32 $0x1B20000, v1;
	[tilespmem:s21+$0x1800] =	vst v14;
	v14 =	vadd.s32 $0x1A28000, v5  }
0x70: {  	v0 =	vadd.s32 $0x1C18000, v5;
	v2 =	vadd.s32 $0x1D10000, v1;
	[tilespmem:s21+$0x5800] =	vst v7;
	v7 =	vadd.s32 $0x1C18000, v1  }
0x71: {  	v4 =	vadd.s32 $0x1D10000, v5;
	v3 =	vadd.s32 $0x1E08000, v1;
	[tilespmem:s21+$0x1A00] =	vst v15  }
0x72: {  	[tilespmem:s21+$0x5A00] =	vst v16  }
0x73: {  	[tilespmem:s21+$0x1C00] =	vst v17  }
0x74: {  	[tilespmem:s21+$0x5C00] =	vst v18  }
0x75: {  	[tilespmem:s21+$0x1E00] =	vst v19  }
0x76: {  	[tilespmem:s21+$0x5E00] =	vst v20  }
0x77: {  	[tilespmem:s21+$0x2000] =	vst v21  }
0x78: {  	[tilespmem:s21+$0x6000] =	vst v22  }
0x79: {  	[tilespmem:s21+$0x2200] =	vst v8  }
0x7a: {  	[tilespmem:s21+$0x6200] =	vst v23  }
0x7b: {  	[tilespmem:s21+$0x2400] =	vst v24  }
0x7c: {  	[tilespmem:s21+$0x6400] =	vst v25  }
0x7d: {  	[tilespmem:s21+$0x2600] =	vst v26  }
0x7e: {  	[tilespmem:s21+$0x6600] =	vst v27  }
0x7f: {  	[tilespmem:s21+$0x2800] =	vst v9  }
0x80: {  	[tilespmem:s21+$0x6800] =	vst v28  }
0x81: {  	[tilespmem:s21+$0x2A00] =	vst v29  }
0x82: {  	[tilespmem:s21+$0x6A00] =	vst v10  }
0x83: {  	[tilespmem:s21+$0x2C00] =	vst v30  }
0x84: {  	[tilespmem:s21+$0x6C00] =	vst v31  }
0x85: {  	[tilespmem:s21+$0x2E00] =	vst v6  }
0x86: {  	[tilespmem:s21+$0x6E00] =	vst v32  }
0x87: {  	[tilespmem:s21+$0x3000] =	vst v33  }
0x88: {  	[tilespmem:s21+$0x7000] =	vst v11  }
0x89: {  	[tilespmem:s21+$0x3200] =	vst v34  }
0x8a: {  	[tilespmem:s21+$0x7200] =	vst v35  }
0x8b: {  	[tilespmem:s21+$0x3400] =	vst v12  }
0x8c: {  	[tilespmem:s21+$0x7400] =	vst v36  }
0x8d: {  	[tilespmem:s21+$0x3600] =	vst v37  }
0x8e: {  	[tilespmem:s21+$0x7600] =	vst v38  }
0x8f: {  	[tilespmem:s21+$0x3800] =	vst v39  }
0x90: {  	[tilespmem:s21+$0x7800] =	vst v40  }
0x91: {  	[tilespmem:s21+$0x3A00] =	vst v13  }
0x92: {  	[tilespmem:s21+$0x7A00] =	vst v41  }
.Ltmp0:
0x93: {  	[tilespmem:s21+$0x3C00] =	vst v42;
	(pc) =	sbr.rel @p0 .LBB2_2-.Ltmp0, $4  }
0x94: {  	[tilespmem:s21+$0x7C00] =	vst v14  }
0x95: {  	[tilespmem:s21+$0x3E00] =	vst v43  }
0x96: {  	[tilespmem:s21+$0x7E00] =	vst v44  }
0x97: {  	s23 =	sshra.s32 s22, $0x2;
	s22 =	sadd.s32 $0x40, s22;
	[tilespmem:s21+$0x4000] =	vst v7  }
0x98: {  	v5 =	vld [tilespmem:s23+$0x200];
	[tilespmem:s21+$0x8000] =	vst v0  }
0x99: {  	v0 =	vld [tilespmem:s23+$0x0];
	[tilespmem:s21+$0x4200] =	vst v2  }
0x9a: {  	[tilespmem:s21+$0x8200] =	vst v4  }
0x9b: {  	[tilespmem:s21+$0x4400] =	vst v3  }
0x9c: {  	[tilespmem:s21+$0x600] =	vst v1  }
0x9d: {  	[tilespmem:s23+$0x4600] =	vst v5;
	v1 =	vadd.s32 $0x1E08000, v5  }
0x9e: {  	[tilespmem:s23+$0x8400] =	vst v1  }
0x9f: {  	v2 =	vadd.s32 $0xF8000, v0;
	[tilespmem:s23+$0x600] =	vst v0  }
0xa0: {  	v1 =	vadd.s32 $0xF8000, v5;
	[tilespmem:s23+$0x800] =	vst v2  }
0xa1: {  	v2 =	vadd.s32 $0x1F0000, v0;
	[tilespmem:s23+$0x4800] =	vst v1  }
0xa2: {  	v1 =	vadd.s32 $0x1F0000, v5;
	[tilespmem:s23+$0xA00] =	vst v2  }
0xa3: {  	v2 =	vadd.s32 $0x2E8000, v0;
	[tilespmem:s23+$0x4A00] =	vst v1  }
0xa4: {  	v1 =	vadd.s32 $0x2E8000, v5;
	[tilespmem:s23+$0xC00] =	vst v2  }
0xa5: {  	v2 =	vadd.s32 $0x3E0000, v0;
	[tilespmem:s23+$0x4C00] =	vst v1  }
0xa6: {  	v1 =	vadd.s32 $0x3E0000, v5;
	[tilespmem:s23+$0xE00] =	vst v2  }
0xa7: {  	v2 =	vadd.s32 $0x4D8000, v0;
	[tilespmem:s23+$0x4E00] =	vst v1  }
0xa8: {  	v1 =	vadd.s32 $0x4D8000, v5;
	[tilespmem:s23+$0x1000] =	vst v2  }
0xa9: {  	v2 =	vadd.s32 $0x5D0000, v0;
	[tilespmem:s23+$0x5000] =	vst v1  }
0xaa: {  	v1 =	vadd.s32 $0x5D0000, v5;
	[tilespmem:s23+$0x1200] =	vst v2  }
0xab: {  	v2 =	vadd.s32 $0x6C8000, v0;
	[tilespmem:s23+$0x5200] =	vst v1  }
0xac: {  	v1 =	vadd.s32 $0x6C8000, v5;
	[tilespmem:s23+$0x1400] =	vst v2  }
0xad: {  	v2 =	vadd.s32 $0x7C0000, v0;
	[tilespmem:s23+$0x5400] =	vst v1  }
0xae: {  	v1 =	vadd.s32 $0x7C0000, v5;
	[tilespmem:s23+$0x1600] =	vst v2  }
0xaf: {  	v2 =	vadd.s32 $0x8B8000, v0;
	[tilespmem:s23+$0x5600] =	vst v1  }
0xb0: {  	v1 =	vadd.s32 $0x8B8000, v5;
	[tilespmem:s23+$0x1800] =	vst v2  }
0xb1: {  	v2 =	vadd.s32 $0x9B0000, v0;
	[tilespmem:s23+$0x5800] =	vst v1  }
0xb2: {  	v1 =	vadd.s32 $0x9B0000, v5;
	[tilespmem:s23+$0x1A00] =	vst v2  }
0xb3: {  	v2 =	vadd.s32 $0xAA8000, v0;
	[tilespmem:s23+$0x5A00] =	vst v1  }
0xb4: {  	v1 =	vadd.s32 $0xAA8000, v5;
	[tilespmem:s23+$0x1C00] =	vst v2  }
0xb5: {  	v2 =	vadd.s32 $0xBA0000, v0;
	[tilespmem:s23+$0x5C00] =	vst v1  }
0xb6: {  	v1 =	vadd.s32 $0xBA0000, v5;
	[tilespmem:s23+$0x1E00] =	vst v2  }
0xb7: {  	v2 =	vadd.s32 $0xC98000, v0;
	[tilespmem:s23+$0x5E00] =	vst v1  }
0xb8: {  	v1 =	vadd.s32 $0xC98000, v5;
	[tilespmem:s23+$0x2000] =	vst v2  }
0xb9: {  	v2 =	vadd.s32 $0xD90000, v0;
	[tilespmem:s23+$0x6000] =	vst v1  }
0xba: {  	v1 =	vadd.s32 $0xD90000, v5;
	[tilespmem:s23+$0x2200] =	vst v2  }
0xbb: {  	v2 =	vadd.s32 $0xE88000, v0;
	[tilespmem:s23+$0x6200] =	vst v1  }
0xbc: {  	v1 =	vadd.s32 $0xE88000, v5;
	[tilespmem:s23+$0x2400] =	vst v2  }
0xbd: {  	v2 =	vadd.s32 $0xF80000, v0;
	[tilespmem:s23+$0x6400] =	vst v1  }
0xbe: {  	v1 =	vadd.s32 $0xF80000, v5;
	[tilespmem:s23+$0x2600] =	vst v2  }
0xbf: {  	v2 =	vadd.s32 $0x1078000, v0;
	[tilespmem:s23+$0x6600] =	vst v1  }
0xc0: {  	v1 =	vadd.s32 $0x1078000, v5;
	[tilespmem:s23+$0x2800] =	vst v2  }
0xc1: {  	v2 =	vadd.s32 $0x1170000, v0;
	[tilespmem:s23+$0x6800] =	vst v1  }
0xc2: {  	v1 =	vadd.s32 $0x1170000, v5;
	[tilespmem:s23+$0x2A00] =	vst v2  }
0xc3: {  	v2 =	vadd.s32 $0x1268000, v0;
	[tilespmem:s23+$0x6A00] =	vst v1  }
0xc4: {  	v1 =	vadd.s32 $0x1268000, v5;
	[tilespmem:s23+$0x2C00] =	vst v2  }
0xc5: {  	v2 =	vadd.s32 $0x1360000, v0;
	[tilespmem:s23+$0x6C00] =	vst v1  }
0xc6: {  	v1 =	vadd.s32 $0x1360000, v5;
	[tilespmem:s23+$0x2E00] =	vst v2  }
0xc7: {  	v2 =	vadd.s32 $0x1458000, v0;
	[tilespmem:s23+$0x6E00] =	vst v1  }
0xc8: {  	v1 =	vadd.s32 $0x1458000, v5;
	[tilespmem:s23+$0x3000] =	vst v2  }
0xc9: {  	v2 =	vadd.s32 $0x1550000, v0;
	[tilespmem:s23+$0x7000] =	vst v1  }
0xca: {  	v1 =	vadd.s32 $0x1550000, v5;
	[tilespmem:s23+$0x3200] =	vst v2  }
0xcb: {  	v2 =	vadd.s32 $0x1648000, v0;
	[tilespmem:s23+$0x7200] =	vst v1  }
0xcc: {  	v1 =	vadd.s32 $0x1648000, v5;
	[tilespmem:s23+$0x3400] =	vst v2  }
0xcd: {  	v2 =	vadd.s32 $0x1740000, v0;
	[tilespmem:s23+$0x7400] =	vst v1  }
0xce: {  	v1 =	vadd.s32 $0x1740000, v5;
	[tilespmem:s23+$0x3600] =	vst v2  }
0xcf: {  	v2 =	vadd.s32 $0x1838000, v0;
	[tilespmem:s23+$0x7600] =	vst v1  }
0xd0: {  	v1 =	vadd.s32 $0x1838000, v5;
	[tilespmem:s23+$0x3800] =	vst v2  }
0xd1: {  	v2 =	vadd.s32 $0x1930000, v0;
	[tilespmem:s23+$0x7800] =	vst v1  }
0xd2: {  	v1 =	vadd.s32 $0x1930000, v5;
	[tilespmem:s23+$0x3A00] =	vst v2  }
0xd3: {  	v2 =	vadd.s32 $0x1A28000, v0;
	[tilespmem:s23+$0x7A00] =	vst v1  }
0xd4: {  	v1 =	vadd.s32 $0x1A28000, v5;
	[tilespmem:s23+$0x3C00] =	vst v2  }
0xd5: {  	v2 =	vadd.s32 $0x1B20000, v0;
	[tilespmem:s23+$0x7C00] =	vst v1  }
0xd6: {  	v1 =	vadd.s32 $0x1B20000, v5;
	[tilespmem:s23+$0x3E00] =	vst v2  }
0xd7: {  	v2 =	vadd.s32 $0x1C18000, v0;
	[tilespmem:s23+$0x7E00] =	vst v1  }
0xd8: {  	v1 =	vadd.s32 $0x1C18000, v5;
	[tilespmem:s23+$0x4000] =	vst v2  }
0xd9: {  	v2 =	vadd.s32 $0x1D10000, v0;
	[tilespmem:s23+$0x8000] =	vst v1  }
0xda: {  	v1 =	vadd.s32 $0x1D10000, v5;
	[tilespmem:s23+$0x4200] =	vst v2  }
0xdb: {  	v2 =	vadd.s32 $0x1E08000, v0;
	[tilespmem:s23+$0x8200] =	vst v1  }
0xdc: {  	[tilespmem:s23+$0x4400] =	vst v2  }
0xdd: {  	[tilespmem:s14], [sflag:$0x1] =	stream.indirect.gather [hbm4b:s3+s12], $0x1, s13, s12, $0xb8;
	[tilespmem:$0x10610] =	vst v63  }
0xde: {  	_ = 	snop  }
0xdf: {  	[tilespmem:s16], [sflag:$0x2] =	stream.indirect.gather [hbm4b:s3+s12], $0x1, s15, s12, $0xb8;
	[tilespmem:$0x10610] =	vst v63  }
0xe0: {  	_ =	swait.ge [sflag:s17], $0x4000  }
0xe1: {  	[sflag:s17] =	ssyncset.done $0x0  }
0xe2: {  	[sflag:s17] =	ssyncadd.s32 $0xFFFFC000  }
0xe3: {  	_ =	swait.ge [sflag:s18], $0x4000  }
0xe4: {  	[sflag:s18] =	ssyncset.done $0x0  }
0xe5: {  	s22 =	simm.s32 $0x0;
	[sflag:s18] =	ssyncadd.s32 $0xFFFFC000  }
0xe6: {  	v3 =	vld [tilespmem:s22+$0xBA00]  }
0xe7: {  	v2 =	vld [tilespmem:s22+$0xFA00]  }
0xe8: {  	v6 =	vld [tilespmem:s22+$0xB800]  }
0xe9: {  	v5 =	vld [tilespmem:s22+$0xF800]  }
0xea: {  	v10 =	vld [tilespmem:s22+$0xB600]  }
0xeb: {  	v8 =	vld [tilespmem:s22+$0xF600]  }
0xec: {  	v13 =	vld [tilespmem:s22+$0xB400]  }
0xed: {  	v11 =	vld [tilespmem:s22+$0xF400]  }
0xee: {  	v22 =	vld [tilespmem:s22+$0xAE00]  }
0xef: {  	v20 =	vld [tilespmem:s22+$0xEE00]  }
0xf0: {  	v24 =	vld [tilespmem:s22+$0xAC00]  }
0xf1: {  	v23 =	vld [tilespmem:s22+$0xEC00]  }
0xf2: {  	v33 =	vld [tilespmem:s22+$0xA800]  }
0xf3: {  	v32 =	vld [tilespmem:s22+$0xE800]  }
0xf4: {  	v25 =	vld [tilespmem:s22+$0x9C00]  }
0xf5: {  	v28 =	vld [tilespmem:s22+$0xDC00]  }
0xf6: {  	v45 =	vld [tilespmem:s22+$0x9600]  }
0xf7: {  	v47 =	vld [tilespmem:s22+$0x8600]  }
0xf8: {  	v48 =	vld [tilespmem:s22+$0xC600]  }
0xf9: {  	v49 =	vld [tilespmem:s22+$0x8800]  }
0xfa: {  	v50 =	vld [tilespmem:s22+$0xC800]  }
0xfb: {  	v51 =	vld [tilespmem:s22+$0x8A00]  }
0xfc: {  	v52 =	vld [tilespmem:s22+$0xCA00];
	v0 =	vsub.f32 v3, v2  }
0xfd: {  	v53 =	vld [tilespmem:s22+$0x8C00];
	v1 =	vsub.f32 v6, v5;
	v4 =	vsub.f32 v10, v8  }
0xfe: {  	v54 =	vld [tilespmem:s22+$0xCC00];
	v7 =	vsub.f32 v13, v11;
	v55 =	vmul.f32 v47, v47;
	v56 =	vmul.f32 v49, v49  }
0xff: {  	v57 =	vld [tilespmem:s22+$0x8E00];
	v15 =	vsub.f32 v22, v20;
	v59 =	vmul.f32 v48, v48;
	v60 =	vmul.f32 v50, v50  }
0x100: {  	v61 =	vld [tilespmem:s22+$0xCE00];
	v18 =	vsub.f32 v24, v23;
	v55 =	vadd.f32 v56, v55;
	v56 =	vmul.f32 v51, v51  }
0x101: {  	v51 =	vsub.f32 v51, v52;
	v59 =	vadd.f32 v60, v59;
	v52 =	vmul.f32 v52, v52;
	v60 =	vld [tilespmem:s22+$0x9000]  }
0x102: {  	v47 =	vsub.f32 v47, v48;
	v48 =	vadd.f32 v56, v55;
	v55 =	vmul.f32 v53, v53;
	v56 =	vld [tilespmem:s22+$0xD000]  }
0x103: {  	v46 =	vld [tilespmem:s22+$0xD600];
	v53 =	vsub.f32 v53, v54;
	v52 =	vadd.f32 v52, v59;
	v54 =	vmul.f32 v54, v54  }
0x104: {  	v49 =	vsub.f32 v49, v50;
	v50 =	vmul.f32 v57, v57;
	v48 =	vadd.f32 v55, v48;
	v55 =	vld [tilespmem:s22+$0x9200]  }
0x105: {  	v57 =	vsub.f32 v57, v61;
	v52 =	vadd.f32 v54, v52;
	v54 =	vmul.f32 v61, v61;
	v61 =	vld [tilespmem:s22+$0xD200]  }
0x106: {  	v63 =	vld [tilespmem:s22+$0x9400];
	v26 =	vsub.f32 v33, v32;
	v48 =	vadd.f32 v50, v48  }
0x107: {  	v59 =	vld [tilespmem:s22+$0xD400];
	v52 =	vadd.f32 v54, v52;
	v54 =	vsub.f32 v60, v56;
	v60 =	vmul.f32 v60, v60  }
0x108: {  	v58 =	vsub.f32 v25, v28;
	v47 =	vmul.f32 v47, v47;
	v56 =	vmul.f32 v56, v56  }
0x109: {  	v49 =	vmul.f32 v49, v49;
	v48 =	vadd.f32 v60, v48;
	v60 =	vmul.f32 v55, v55  }
0x10a: {  	v43 =	vld [tilespmem:s22+$0x9800];
	v52 =	vadd.f32 v56, v52;
	v55 =	vsub.f32 v55, v61;
	v61 =	vmul.f32 v61, v61  }
0x10b: {  	v44 =	vld [tilespmem:s22+$0xD800];
	v57 =	vmul.f32 v57, v57;
	v47 =	vadd.f32 v49, v47;
	v49 =	vsub.f32 v45, v46  }
0x10c: {  	v36 =	vld [tilespmem:s22+$0x9A00];
	v56 =	vsub.f32 v63, v59;
	v59 =	vmul.f32 v59, v59;
	v52 =	vadd.f32 v61, v52  }
0x10d: {  	v42 =	vld [tilespmem:s22+$0xDA00];
	v51 =	vmul.f32 v51, v51;
	v63 =	vmul.f32 v63, v63;
	v48 =	vadd.f32 v60, v48  }
0x10e: {  	v45 =	vmul.f32 v45, v45;
	v46 =	vmul.f32 v46, v46;
	v52 =	vadd.f32 v59, v52  }
0x10f: {  	v39 =	vld [tilespmem:s22+$0xA600];
	v47 =	vadd.f32 v51, v47;
	v61 =	vmul.f32 v53, v53;
	v48 =	vadd.f32 v63, v48  }
0x110: {  	v34 =	vld [tilespmem:s22+$0xE600];
	v50 =	vsub.f32 v43, v44;
	v44 =	vmul.f32 v44, v44;
	v46 =	vadd.f32 v46, v52  }
0x111: {  	v51 =	vld [tilespmem:s22+$0xDE00];
	v43 =	vmul.f32 v43, v43;
	v47 =	vadd.f32 v61, v47;
	v45 =	vadd.f32 v45, v48  }
0x112: {  	v62 =	vsub.f32 v36, v42;
	v42 =	vmul.f32 v42, v42;
	v53 =	vld [tilespmem:s22+$0x9E00];
	v44 =	vadd.f32 v44, v46  }
0x113: {  	v63 =	vmul.f32 v54, v54;
	v47 =	vadd.f32 v57, v47;
	v43 =	vadd.f32 v43, v45;
	v45 =	vld [tilespmem:s22+$0xE000]  }
0x114: {  	v36 =	vmul.f32 v36, v36;
	v28 =	vmul.f32 v28, v28;
	v48 =	vld [tilespmem:s22+$0xA000];
	v42 =	vadd.f32 v42, v44  }
0x115: {  	v41 =	vld [tilespmem:s22+$0xE200];
	v25 =	vmul.f32 v25, v25;
	v60 =	vmul.f32 v55, v55;
	v59 =	vadd.f32 v63, v47  }
0x116: {  	v30 =	vld [tilespmem:s22+$0xA200];
	v57 =	vmul.f32 v51, v51;
	v36 =	vadd.f32 v36, v43;
	v42 =	vadd.f32 v28, v42  }
0x117: {  	v40 =	vld [tilespmem:s22+$0xE400];
	v33 =	vmul.f32 v33, v33;
	v61 =	vmul.f32 v53, v53;
	v46 =	vadd.f32 v60, v59  }
0x118: {  	v38 =	vld [tilespmem:s22+$0xA400];
	v36 =	vadd.f32 v25, v36;
	v60 =	vmul.f32 v45, v45;
	v42 =	vadd.f32 v57, v42  }
0x119: {  	v29 =	vld [tilespmem:s22+$0xAA00];
	v31 =	vsub.f32 v39, v34;
	v63 =	vmul.f32 v56, v56;
	v56 =	vmul.f32 v48, v48  }
0x11a: {  	v27 =	vld [tilespmem:s22+$0xEA00];
	v36 =	vadd.f32 v61, v36;
	v61 =	vmul.f32 v41, v41;
	v42 =	vadd.f32 v60, v42  }
0x11b: {  	v49 =	vmul.f32 v49, v49;
	v59 =	vmul.f32 v30, v30;
	v44 =	vadd.f32 v63, v46  }
0x11c: {  	v47 =	vadd.f32 v56, v36;
	v42 =	vadd.f32 v61, v42;
	v61 =	vmul.f32 v40, v40  }
0x11d: {  	v44 =	vadd.f32 v49, v44;
	v49 =	vmul.f32 v38, v38;
	v60 =	vmul.f32 v39, v39  }
0x11e: {  	v39 =	vmul.f32 v34, v34;
	v43 =	vadd.f32 v59, v47;
	v42 =	vadd.f32 v61, v42  }
0x11f: {  	v21 =	vsub.f32 v29, v27;
	v32 =	vmul.f32 v32, v32;
	v50 =	vmul.f32 v50, v50  }
0x120: {  	v27 =	vmul.f32 v27, v27;
	v43 =	vadd.f32 v49, v43;
	v42 =	vadd.f32 v39, v42  }
0x121: {  	v24 =	vmul.f32 v24, v24;
	v63 =	vmul.f32 v62, v62;
	v44 =	vadd.f32 v50, v44  }
0x122: {  	v23 =	vmul.f32 v23, v23;
	v43 =	vadd.f32 v60, v43;
	v32 =	vadd.f32 v32, v42  }
0x123: {  	v16 =	vld [tilespmem:s22+$0xB200];
	v62 =	vmul.f32 v58, v58;
	v44 =	vadd.f32 v63, v44;
	v63 =	vsub.f32 v53, v51  }
0x124: {  	v19 =	vld [tilespmem:s22+$0xB000];
	v59 =	vmul.f32 v29, v29;
	v33 =	vadd.f32 v33, v43;
	v27 =	vadd.f32 v27, v32  }
0x125: {  	v17 =	vld [tilespmem:s22+$0xF000];
	v45 =	vsub.f32 v48, v45;
	v44 =	vadd.f32 v62, v44;
	v58 =	vmul.f32 v63, v63  }
0x126: {  	v14 =	vld [tilespmem:s22+$0xF200];
	v33 =	vadd.f32 v59, v33;
	v23 =	vadd.f32 v23, v27;
	v27 =	vmul.f32 v20, v20  }
0x127: {  	s21 =	simm.s32 $0x10;
	v37 =	vsub.f32 v30, v41;
	v62 =	vmul.f32 v45, v45;
	v60 =	vadd.f32 v58, v44  }
0x128: {  	v22 =	vmul.f32 v22, v22;
	v24 =	vadd.f32 v24, v33;
	v23 =	vadd.f32 v27, v23;
	v27 =	vld [tilespmem:s21+$0xBC00]  }
0x129: {  	v35 =	vsub.f32 v38, v40;
	v37 =	vmul.f32 v37, v37;
	v63 =	vadd.f32 v62, v60  }
0x12a: {  	v12 =	vsub.f32 v19, v17;
	v19 =	vmul.f32 v19, v19;
	v22 =	vadd.f32 v22, v24  }
0x12b: {  	v9 =	vsub.f32 v16, v14;
	v47 =	vmul.f32 v35, v35;
	v32 =	vadd.f32 v37, v63  }
0x12c: {  	v17 =	vmul.f32 v17, v17;
	v55 =	vld [tilespmem:s22+$0xBC00];
	v24 =	vmul.f32 v16, v16;
	v19 =	vadd.f32 v19, v22  }
0x12d: {  	v13 =	vmul.f32 v13, v13;
	v31 =	vmul.f32 v31, v31;
	v54 =	vld [tilespmem:s22+$0xBE00];
	[tilespmem:$0x1FFB0] =	vst v27;
	v27 =	vadd.f32 v47, v32  }
0x12e: {  	v14 =	vmul.f32 v14, v14;
	v30 =	vld [tilespmem:s22+$0x10200];
	v17 =	vadd.f32 v17, v23;
	v19 =	vadd.f32 v24, v19  }
0x12f: {  	v10 =	vmul.f32 v10, v10;
	v26 =	vmul.f32 v26, v26;
	v25 =	vld [tilespmem:s22+$0xC400];
	v23 =	vadd.f32 v31, v27  }
0x130: {  	v11 =	vmul.f32 v11, v11;
	v28 =	vld [tilespmem:s22+$0xC200];
	v14 =	vadd.f32 v14, v17;
	v13 =	vadd.f32 v13, v19  }
0x131: {  	v6 =	vmul.f32 v6, v6;
	v21 =	vmul.f32 v21, v21;
	v46 =	vld [tilespmem:s21+$0xC000];
	v17 =	vadd.f32 v26, v23  }
0x132: {  	v8 =	vmul.f32 v8, v8;
	v48 =	vld [tilespmem:s21+$0xC400];
	v11 =	vadd.f32 v11, v14;
	v10 =	vadd.f32 v10, v13  }
0x133: {  	v3 =	vmul.f32 v3, v3;
	v18 =	vmul.f32 v18, v18;
	v57 =	vld [tilespmem:s22+$0xFC00];
	v17 =	vadd.f32 v21, v17  }
0x134: {  	v5 =	vmul.f32 v5, v5;
	v36 =	vld [tilespmem:s22+$0xC000];
	v8 =	vadd.f32 v8, v11;
	v6 =	vadd.f32 v6, v10  }
0x135: {  	v2 =	vmul.f32 v2, v2;
	v56 =	vld [tilespmem:s22+$0xFE00];
	v13 =	vmul.f32 v15, v15;
	v11 =	vadd.f32 v18, v17  }
0x136: {  	v38 =	vld [tilespmem:s22+$0x10000];
	v10 =	vmul.f32 v55, v55;
	v5 =	vadd.f32 v5, v8;
	v3 =	vadd.f32 v3, v6  }
0x137: {  	v12 =	vmul.f32 v12, v12;
	v41 =	vld [tilespmem:s21+$0xAC00];
	v6 =	vmul.f32 v54, v54;
	v11 =	vadd.f32 v13, v11  }
0x138: {  	v34 =	vld [tilespmem:s22+$0x400];
	v2 =	vadd.f32 v2, v5;
	v3 =	vadd.f32 v10, v3;
	v13 =	vmul.f32 v57, v57  }
0x139: {  	v9 =	vmul.f32 v9, v9;
	v50 =	vld [tilespmem:s21+$0x10000];
	v10 =	vmul.f32 v36, v36;
	v11 =	vadd.f32 v12, v11  }
0x13a: {  	v29 =	vld [tilespmem:s22+$0x10400];
	v3 =	vadd.f32 v6, v3;
	v12 =	vmul.f32 v56, v56;
	v2 =	vadd.f32 v13, v2  }
0x13b: {  	v7 =	vmul.f32 v7, v7;
	v35 =	vld [tilespmem:s21+$0xF800];
	v6 =	vmul.f32 v28, v28;
	v9 =	vadd.f32 v9, v11  }
0x13c: {  	v53 =	vld [tilespmem:s21+$0xEC00];
	v3 =	vadd.f32 v10, v3;
	v11 =	vmul.f32 v38, v38;
	v2 =	vadd.f32 v12, v2  }
0x13d: {  	v4 =	vmul.f32 v4, v4;
	v40 =	vld [tilespmem:s21+$0xAA00];
	v10 =	vmul.f32 v30, v30;
	v7 =	vadd.f32 v7, v9  }
0x13e: {  	v61 =	vld [tilespmem:s21+$0xC200];
	v3 =	vadd.f32 v6, v3;
	v9 =	vmul.f32 v25, v25;
	v2 =	vadd.f32 v11, v2  }
0x13f: {  	v1 =	vmul.f32 v1, v1;
	v45 =	vld [tilespmem:s21+$0x10200];
	v4 =	vadd.f32 v4, v7  }
0x140: {  	v49 =	vld [tilespmem:s21+$0xE600];
	v6 =	vmul.f32 v29, v29;
	v2 =	vadd.f32 v10, v2;
	v3 =	vadd.f32 v9, v3  }
0x141: {  	v0 =	vmul.f32 v0, v0;
	v39 =	vld [tilespmem:s21+$0xE800];
	v1 =	vadd.f32 v1, v4;
	v4 =	vsub.f32 v55, v57  }
0x142: {  	v44 =	vld [tilespmem:s21+$0xE400];
	v2 =	vadd.f32 v6, v2;
	v6 =	vsub.f32 v54, v56  }
0x143: {  	v42 =	vld [tilespmem:s21+$0xB400];
	v0 =	vadd.f32 v0, v1;
	v1 =	vsub.f32 $1.000000000e+00, v3;
	v3 =	vmul.f32 v4, v4  }
0x144: {  	v60 =	vld [tilespmem:s21+$0xDA00];
	v2 =	vsub.f32 $1.000000000e+00, v2  }
0x145: {  	v20 =	vld [tilespmem:s21+$0xBE00];
	v9 =	vsub.f32 v36, v38;
	v6 =	vmul.f32 v6, v6;
	v0 =	vadd.f32 v3, v0  }
0x146: {  	v33 =	vld [tilespmem:s21+$0xFA00];
	v1 =	vmul.f32 v2, v1  }
0x147: {  	v16 =	vld [tilespmem:s21+$0xFE00];
	v2 =	vmul.f32 v9, v9;
	v3 =	vsub.f32 v28, v30;
	v0 =	vadd.f32 v6, v0  }
0x148: {  	v22 =	vld [tilespmem:s21+$0xFC00];
	(erf) = vrcp.f32 v1  }
0x149: {  	v24 =	vld [tilespmem:s21+$0xF000];
	v6 =	vsub.f32 v25, v29;
	v0 =	vadd.f32 v2, v0;
	v2 =	vmul.f32 v3, v3  }
0x14a: {  	v32 =	vld [tilespmem:s21+$0xBA00]  }
0x14b: {  	v47 =	vld [tilespmem:s21+$0xE200];
	v3 =	vmul.f32 v6, v6;
	v0 =	vadd.f32 v2, v0  }
0x14c: {  	v14 =	vld [tilespmem:s21+$0xB600]  }
0x14d: {  	v19 =	vld [tilespmem:s21+$0xF200];
	v0 =	vadd.f32 v3, v0;
	v3 =	vsub.f32 $1.000000000e+00, v34  }
0x14e: {  	v21 =	vld [tilespmem:s21+$0xF600]  }
0x14f: {  	v31 =	vld [tilespmem:s21+$0xB800];
	[tilespmem:$0x1FD90] =	vst v3;
	v3 =	vsub.f32 v32, v33  }
0x150: {  	v5 =	vld [tilespmem:s21+$0xB000]  }
0x151: {  	v27 =	vld [tilespmem:s21+$0xEA00];
	[tilespmem:$0x1FDA0] =	vst v3;
	v3 =	vadd.f32 v0, v0  }
0x152: {  	[tilespmem:$0x1FFD0] =	vst v22;
	v22 =	vld [tilespmem:s21+$0xA800];
	v6 =	vpop (erf)  }
0x153: {  	[tilespmem:$0x1FF80] =	vst v50;
	v8 =	vld [tilespmem:s21+$0xB200];
	v9 =	vsub.f32 v14, v21;
	v3 =	vmul.f32 v6, v3  }
0x154: {  	v15 =	vld [tilespmem:s21+$0xAE00];
	[tilespmem:$0x1FE60] =	vst v24;
	v6 =	vmul.f32 v20, v20  }
0x155: {  	v26 =	vld [tilespmem:s21+$0xEE00];
	[tilespmem:$0x1FDD0] =	vst v9;
	v55 =	vadd.f32 $1.000000000e+00, v3;
	v3 =	vsub.f32 v5, v24  }
0x156: {  	v23 =	vld [tilespmem:s21+$0x9600];
	[tilespmem:$0x1FE00] =	vst v6;
	v6 =	vmul.f32 v16, v16  }
0x157: {  	v17 =	vld [tilespmem:s21+$0xF400];
	[tilespmem:$0x1FE70] =	vst v3;
	v3 =	vmul.f32 v31, v31  }
0x158: {  	v18 =	vld [tilespmem:s21+$0x9800];
	[tilespmem:$0x1FE10] =	vst v6;
	v6 =	vsub.f32 v8, v19  }
0x159: {  	v13 =	vld [tilespmem:s21+$0x9A00];
	[tilespmem:$0x1FE80] =	vst v3;
	v3 =	vmul.f32 v35, v35  }
0x15a: {  	v12 =	vld [tilespmem:s21+$0xE000];
	[tilespmem:$0x1FE30] =	vst v6;
	v6 =	vmul.f32 v32, v32  }
0x15b: {  	v4 =	vld [tilespmem:s21+$0xA400];
	[tilespmem:$0x1FE90] =	vst v3;
	v3 =	vsub.f32 v15, v26  }
0x15c: {  	v1 =	vld [tilespmem:s21+$0xA000];
	[tilespmem:$0x1FE40] =	vst v6;
	v6 =	vmul.f32 v33, v33  }
0x15d: {  	v7 =	vld [tilespmem:s21+$0xA600];
	[tilespmem:$0x1FEB0] =	vst v3;
	v3 =	vmul.f32 v14, v14  }
0x15e: {  	v11 =	vld [tilespmem:s21+$0xD600];
	[tilespmem:$0x1FE50] =	vst v6;
	v6 =	vmul.f32 v21, v21  }
0x15f: {  	v36 =	vld [tilespmem:s21+$0xA200];
	v0 =	vsub.f32 v20, v16;
	[tilespmem:$0x1FEC0] =	vst v3;
	v3 =	vmul.f32 v55, v55  }
0x160: {  	v38 =	vld [tilespmem:s21+$0xDE00];
	v9 =	vsub.f32 v42, v17;
	v57 =	vsub.f32 v4, v44;
	[tilespmem:$0x1FED0] =	vst v6;
	v6 =	vmul.f32 v42, v42  }
0x161: {  	v43 =	vmov v61;
	v10 =	vld [tilespmem:s21+$0x9400];
	v59 =	vsub.f32 v1, v12;
	[tilespmem:$0x1FDB0] =	vst v0;
	v61 =	vadd.f32 $-1.000000000e+00, v3  }
0x162: {  	v56 =	vld [tilespmem:s21+$0xDC00];
	v0 =	vsub.f32 v31, v35;
	[tilespmem:$0x1FEE0] =	vst v6;
	v6 =	vsub.f32 v7, v49  }
0x163: {  	v52 =	vmovc v49;
	[tilespmem:$0x1FDE0] =	vst v17;
	v30 =	vld [tilespmem:s21+$0x9000];
	v49 =	vmul.f32 v5, v5;
	v5 =	vmul.f32 v1, v1;
	v1 =	vshrl.u32 v61, $0x1  }
0x164: {  	v28 =	vld [tilespmem:s21+$0xD000];
	[tilespmem:$0x1FDF0] =	vst v9;
	v31 =	vsub.s32 $0x5F3759DF, v1;
	v1 =	vmul.f32 v4, v4;
	v4 =	vmul.f32 v48, v48  }
0x165: {  	v29 =	vld [tilespmem:s21+$0x9E00];
	[tilespmem:$0x1FEF0] =	vst v6  }
0x166: {  	v25 =	vld [tilespmem:s21+$0x9200];
	v6 =	vmul.f32 v8, v8;
	[tilespmem:$0x1FF10] =	vst v4;
	v4 =	vimm.f32 $0.0e+00  }
0x167: {  	v17 =	vld [tilespmem:$0x1FFD0];
	[tilespmem:$0x1FF20] =	vst v4;
	v4 =	vmul.f32 v43, v43  }
0x168: {  	(erf) = vrcp.f32 v34;
	v9 =	vld [tilespmem:s21+$0xD200];
	[tilespmem:$0x1FF00] =	vst v6  }
0x169: {  	v2 =	vld [tilespmem:s21+$0x9C00];
	v6 =	vmul.f32 $5.000000000e-01, v61;
	[tilespmem:$0x1FF30] =	vst v4;
	v4 =	vmul.f32 v45, v45  }
0x16a: {  	v62 =	vmul.f32 v7, v7;
	v34 =	vld [tilespmem:s21+$0xCE00];
	[tilespmem:$0x1FDC0] =	vst v0  }
0x16b: {  	v0 =	vld [tilespmem:s21+$0xD800];
	v7 =	vmul.f32 v31, v6;
	[tilespmem:$0x1FF40] =	vst v4;
	v4 =	vmul.f32 v46, v46  }
0x16c: {  	[tilespmem:$0x1FE20] =	vst v19;
	v16 =	vld [tilespmem:s21+$0xD400]  }
0x16d: {  	v17 =	vmul.f32 v17, v17;
	v35 =	vmul.f32 v31, v7;
	v7 =	vld [tilespmem:$0x1FFB0];
	[tilespmem:$0x1FF50] =	vst v4;
	v4 =	vsub.f32 v41, v53  }
0x16e: {  	[tilespmem:$0x1FEA0] =	vst v26;
	v54 =	vmul.f32 v15, v15;
	v15 =	vld [tilespmem:s21+$0xCC00]  }
0x16f: {  	v14 =	vmul.f32 v12, v12;
	v12 =	vld [tilespmem:s21+$0x8E00];
	[tilespmem:$0x1FF60] =	vst v4;
	v4 =	vsub.f32 v22, v39  }
0x170: {  	v63 =	vsub.f32 v29, v38;
	[tilespmem:$0x1FFE0] =	vst v17;
	v21 =	vmul.f32 v38, v38;
	v38 =	vld [tilespmem:s21+$0x8A00]  }
0x171: {  	v58 =	vsub.f32 v36, v47;
	v17 =	vpop (erf);
	v3 =	vmul.f32 v36, v36;
	v36 =	vld [tilespmem:s21+$0x8C00];
	[tilespmem:$0x1FF70] =	vst v4;
	v4 =	vmul.f32 v50, v50  }
0x172: {  	[tilespmem:$0x1FFF0] =	vst v17;
	v20 =	vmul.f32 v29, v29;
	v8 =	vld [tilespmem:s21+$0x8600];
	v7 =	vmul.f32 v7, v7  }
0x173: {  	v37 =	vmovc v39;
	v32 =	vmov v41;
	v29 =	vsub.f32 v10, v16;
	v41 =	vld [tilespmem:s21+$0x8800];
	[tilespmem:$0x1FF90] =	vst v4;
	v4 =	vsub.f32 v40, v27  }
0x174: {  	v33 =	vmovc v53;
	v53 =	vmov v22;
	v39 =	vld [tilespmem:s21+$0xCA00];
	v22 =	vsub.f32 v18, v0;
	[tilespmem:$0x1FFC0] =	vst v7;
	v7 =	vsub.f32 v13, v60  }
0x175: {  	s22 =	simm.s32 $0x80;
	v51 =	vmovc v40;
	v50 =	vmov v27;
	v40 =	vld [tilespmem:s21+$0xC600];
	v27 =	vsub.f32 v23, v11;
	[tilespmem:$0x1FFA0] =	vst v4;
	v4 =	vsub.f32 v2, v56  }
.LBB2_4:
0x176: {  	v19 =	vmul.f32 v2, v2  }
0x177: {  	v42 =	vld [tilespmem:s21+$0xC800];
	v2 =	vmul.f32 v18, v18;
	v13 =	vmul.f32 v13, v13;
	v18 =	vsub.f32 $1.500000000e+00, v35  }
0x178: {  	v10 =	vmul.f32 v10, v10;
	v23 =	vmul.f32 v23, v23  }
0x179: {  	[tilespmem:$0x1FD60] =	vst v43;
	v18 =	vmul.f32 v31, v18;
	v43 =	vsub.f32 v30, v28;
	v17 =	vsub.f32 v25, v9  }
0x17a: {  	[tilespmem:$0x1FD70] =	vst v45;
	v35 =	vsub.f32 v12, v34;
	v45 =	vmul.f32 v8, v8;
	v24 =	vsub.f32 v36, v15  }
0x17b: {  	[tilespmem:$0x1FD50] =	vst v46;
	v31 =	vmul.f32 v40, v40;
	v46 =	vmul.f32 v41, v41;
	v26 =	vsub.f32 v38, v39  }
0x17c: {  	[tilespmem:$0x1FD80] =	vst v48;
	v8 =	vsub.f32 v8, v40;
	v40 =	vmul.f32 v42, v42;
	v48 =	vmul.f32 v18, v6  }
0x17d: {  	v38 =	vmul.f32 v38, v38;
	v25 =	vmul.f32 v25, v25;
	v45 =	vadd.f32 v46, v45  }
0x17e: {  	v46 =	vmul.f32 v39, v39;
	v31 =	vadd.f32 v40, v31;
	v48 =	vmul.f32 v48, v18  }
0x17f: {  	v15 =	vmul.f32 v15, v15;
	v38 =	vadd.f32 v38, v45;
	v45 =	vmul.f32 v36, v36  }
0x180: {  	v12 =	vmul.f32 v12, v12;
	v31 =	vadd.f32 v46, v31;
	v46 =	vsub.f32 $1.500000000e+00, v48  }
0x181: {  	v30 =	vmul.f32 v30, v30;
	v41 =	vsub.f32 v41, v42;
	v36 =	vadd.f32 v45, v38  }
0x182: {  	v15 =	vadd.f32 v15, v31;
	v31 =	vmul.f32 v34, v34;
	v18 =	vmul.f32 v46, v18  }
0x183: {  	v8 =	vmul.f32 v8, v8;
	v48 =	vmul.f32 v41, v41;
	v12 =	vadd.f32 v12, v36  }
0x184: {  	v28 =	vmul.f32 v28, v28;
	v15 =	vadd.f32 v31, v15;
	v6 =	vmul.f32 v18, v6  }
0x185: {  	v26 =	vmul.f32 v26, v26;
	v8 =	vadd.f32 v48, v8;
	v12 =	vadd.f32 v30, v12  }
0x186: {  	v9 =	vmul.f32 v9, v9;
	v15 =	vadd.f32 v28, v15;
	v6 =	vmul.f32 v6, v18  }
0x187: {  	v24 =	vmul.f32 v24, v24;
	v8 =	vadd.f32 v26, v8;
	v12 =	vadd.f32 v25, v12  }
0x188: {  	v16 =	vmul.f32 v16, v16;
	v9 =	vadd.f32 v9, v15;
	v6 =	vsub.f32 $1.500000000e+00, v6  }
0x189: {  	v8 =	vadd.f32 v24, v8;
	v15 =	vmul.f32 v35, v35;
	v10 =	vadd.f32 v10, v12  }
0x18a: {  	v11 =	vmul.f32 v11, v11;
	v9 =	vadd.f32 v16, v9;
	v6 =	vmul.f32 v6, v18  }
0x18b: {  	v12 =	vmul.f32 v43, v43;
	v8 =	vadd.f32 v15, v8;
	v10 =	vadd.f32 v23, v10  }
0x18c: {  	v0 =	vmul.f32 v0, v0;
	v9 =	vadd.f32 v11, v9;
	v6 =	vmul.f32 v6, v61  }
0x18d: {  	vm0 =	vgt.f32 v61, $0.0e+00;
	v8 =	vadd.f32 v12, v8;
	v2 =	vadd.f32 v2, v10  }
0x18e: {  	v10 =	vmul.f32 v60, v60;
	v0 =	vadd.f32 v0, v9;
	v6 =	vnsel vm0, $0x0, v6  }
0x18f: {  	v9 =	vmul.f32 v17, v17;
	v11 =	vadd.f32 v13, v2;
	v2 =	vadd.f32 v6, v55  }
0x190: {  	v6 =	vmul.f32 v29, v29;
	v0 =	vadd.f32 v10, v0;
	v10 =	vmul.f32 v56, v56  }
0x191: {  	v8 =	vadd.f32 v9, v8;
	v9 =	vadd.f32 v19, v11;
	v11 =	vand.u32 $0x7FFFFF, v2  }
0x192: {  	v0 =	vadd.f32 v10, v0;
	v10 =	vor.u32 $0x3F800000, v11  }
0x193: {  	v6 =	vadd.f32 v6, v8;
	v8 =	vadd.f32 v20, v9;
	v9 =	vmul.f32 $5.000000000e-01, v10  }
0x194: {  	v12 =	vmul.f32 v27, v27;
	vm15 =	vgt.f32 v10, $1.414213540e+00  }
0x195: {  	v0 =	vadd.f32 v21, v0;
	v5 =	vadd.f32 v5, v8;
	v8 =	vsel vm15, v9, v10  }
0x196: {  	v11 =	vmul.f32 v22, v22;
	v6 =	vadd.f32 v12, v6;
	v12 =	vadd.f32 $1.000000000e+00, v8  }
0x197: {  	v10 =	vmul.f32 v47, v47;
	v9 =	vadd.f32 v14, v0  }
0x198: {  	v7 =	vmul.f32 v7, v7;
	v6 =	vadd.f32 v11, v6;
	(erf) = vrcp.f32 v12  }
0x199: {  	v3 =	vadd.f32 v3, v5;
	v9 =	vadd.f32 v10, v9;
	v10 =	vmul.f32 v44, v44  }
0x19a: {  	v6 =	vadd.f32 v7, v6  }
0x19b: {  	v7 =	vadd.f32 v1, v3;
	v9 =	vadd.f32 v10, v9;
	v10 =	vmul.f32 v52, v52  }
0x19c: {  	v4 =	vmul.f32 v4, v4;
	v12 =	vmul.f32 v53, v53  }
0x19d: {  	v14 =	vadd.f32 v62, v7;
	v9 =	vadd.f32 v10, v9;
	v10 =	vmul.f32 v37, v37  }
0x19e: {  	v15 =	vmul.f32 v51, v51;
	v13 =	vmul.f32 v63, v63;
	v6 =	vadd.f32 v4, v6  }
0x19f: {  	v12 =	vadd.f32 v12, v14;
	v9 =	vadd.f32 v10, v9;
	v10 =	vmul.f32 v50, v50  }
0x1a0: {  	v16 =	vmul.f32 v59, v59;
	v8 =	vadd.f32 $-1.000000000e+00, v8;
	v13 =	vadd.f32 v13, v6  }
0x1a1: {  	v12 =	vadd.f32 v15, v12;
	v15 =	vmul.f32 v33, v33;
	v10 =	vadd.f32 v10, v9;
	v17 =	vpop (erf)  }
0x1a2: {  	v8 =	vmul.f32 v17, v8;
	v17 =	vld [tilespmem:$0x1FEF0]  }
0x1a3: {  	v18 =	vmul.f32 v58, v58;
	v13 =	vadd.f32 v16, v13;
	v10 =	vadd.f32 v15, v10;
	v15 =	vld [tilespmem:$0x1FEA0];
	_ =	sdelay $0x1  }
0x1a4: {  	v13 =	vadd.f32 v18, v13;
	v18 =	vmul.f32 v57, v57;
	_ =	sdelay $0x1  }
0x1a5: {  	v13 =	vadd.f32 v18, v13;
	v17 =	vmul.f32 v17, v17  }
0x1a6: {  	v15 =	vmul.f32 v15, v15  }
0x1a7: {  	v13 =	vadd.f32 v17, v13;
	v17 =	vld [tilespmem:$0x1FF70]  }
0x1a8: {  	v10 =	vadd.f32 v15, v10;
	v15 =	vld [tilespmem:$0x1FE60];
	_ =	sdelay $0x3  }
0x1a9: {  	v17 =	vmul.f32 v17, v17  }
0x1aa: {  	v15 =	vmul.f32 v15, v15  }
0x1ab: {  	v13 =	vadd.f32 v17, v13;
	v17 =	vld [tilespmem:$0x1FFA0]  }
0x1ac: {  	v10 =	vadd.f32 v15, v10;
	v15 =	vld [tilespmem:$0x1FE20]  }
0x1ad: {  	v19 =	vmul.f32 v32, v32;
	_ =	sdelay $0x1  }
0x1ae: {  	v12 =	vadd.f32 v19, v12  }
0x1af: {  	v23 =	vld [tilespmem:$0x1FF00];
	v17 =	vmul.f32 v17, v17  }
0x1b0: {  	v12 =	vadd.f32 v54, v12;
	v15 =	vmul.f32 v15, v15  }
0x1b1: {  	v13 =	vadd.f32 v17, v13;
	v17 =	vld [tilespmem:$0x1FF60]  }
0x1b2: {  	v12 =	vadd.f32 v49, v12;
	v10 =	vadd.f32 v15, v10;
	v15 =	vld [tilespmem:$0x1FDE0];
	_ =	sdelay $0x1  }
0x1b3: {  	v12 =	vadd.f32 v23, v12;
	v23 =	vld [tilespmem:$0x1FEE0];
	_ =	sdelay $0x1  }
0x1b4: {  	v24 =	vld [tilespmem:$0x1FED0];
	v17 =	vmul.f32 v17, v17  }
0x1b5: {  	v15 =	vmul.f32 v15, v15  }
0x1b6: {  	v13 =	vadd.f32 v17, v13;
	v17 =	vld [tilespmem:$0x1FEB0]  }
0x1b7: {  	v12 =	vadd.f32 v23, v12;
	v23 =	vld [tilespmem:$0x1FEC0];
	v10 =	vadd.f32 v15, v10;
	_ =	sdelay $0x1  }
0x1b8: {  	v18 =	vmul.f32 v8, v8;
	v10 =	vadd.f32 v24, v10;
	v24 =	vld [tilespmem:$0x1FE80];
	_ =	sdelay $0x1  }
0x1b9: {  	v19 =	vmul.f32 $2.222222240e-01, v18;
	v17 =	vmul.f32 v17, v17  }
0x1ba: {  	v12 =	vadd.f32 v23, v12  }
0x1bb: {  	v19 =	vadd.f32 $2.857142980e-01, v19;
	v13 =	vadd.f32 v17, v13;
	v17 =	vld [tilespmem:$0x1FE70]  }
0x1bc: {  	v12 =	vadd.f32 v24, v12;
	v24 =	vld [tilespmem:$0x1FE90]  }
0x1bd: {  	v15 =	vmul.f32 v19, v18;
	v19 =	vld [tilespmem:$0x1FD90];
	_ =	sdelay $0x2  }
0x1be: {  	v17 =	vmul.f32 v17, v17  }
0x1bf: {  	v10 =	vadd.f32 v24, v10;
	v24 =	vld [tilespmem:$0x1FE40]  }
0x1c0: {  	v19 =	vadd.f32 v19, v19;
	v13 =	vadd.f32 v17, v13;
	v17 =	vld [tilespmem:$0x1FE30];
	_ =	sdelay $0x1  }
0x1c1: {  	s23 =	sshra.s32 s22, $0x2;
	v19 =	vmul.f32 $1.442695020e+00, v19  }
0x1c2: {  	v0 =	vld [tilespmem:s23+$0xC400]  }
0x1c3: {  	(erf) = vpow2.f32 v19;
	v19 =	vld [tilespmem:$0x1FFC0]  }
0x1c4: {  	v12 =	vadd.f32 v24, v12;
	v24 =	vld [tilespmem:$0x1FE50];
	v17 =	vmul.f32 v17, v17  }
0x1c5: {  	v11 =	vld [tilespmem:s21+$0x10400]  }
0x1c6: {  	v13 =	vadd.f32 v17, v13;
	v17 =	vld [tilespmem:$0x1FE00]  }
0x1c7: {  	v5 =	vld [tilespmem:s21+$0x400];
	s21 =	smov.u32 s23  }
0x1c8: {  	v22 =	vld [tilespmem:s21+$0xBA00]  }
0x1c9: {  	v12 =	vadd.f32 v19, v12;
	v10 =	vadd.f32 v24, v10;
	v24 =	vld [tilespmem:$0x1FFE0]  }
0x1ca: {  	v21 =	vld [tilespmem:s21+$0xFA00]  }
0x1cb: {  	v12 =	vadd.f32 v17, v12;
	v17 =	vld [tilespmem:$0x1FE10]  }
0x1cc: {  	v20 =	vld [tilespmem:s21+$0xB800]  }
0x1cd: {  	v51 =	vld [tilespmem:s21+$0xB600]  }
0x1ce: {  	v23 =	vld [tilespmem:$0x1FDF0];
	v10 =	vadd.f32 v24, v10  }
0x1cf: {  	v53 =	vld [tilespmem:s21+$0xF600];
	v15 =	vadd.f32 $4.000000060e-01, v15  }
0x1d0: {  	v10 =	vadd.f32 v17, v10;
	v17 =	vld [tilespmem:$0x1FDD0]  }
0x1d1: {  	v27 =	vld [tilespmem:s21+$0xB400];
	v15 =	vmul.f32 v15, v18  }
0x1d2: {  	v36 =	vld [tilespmem:s21+$0xF400]  }
0x1d3: {  	v38 =	vld [tilespmem:s21+$0xF200];
	v23 =	vmul.f32 v23, v23;
	v15 =	vadd.f32 $6.666666860e-01, v15  }
0x1d4: {  	v39 =	vld [tilespmem:s21+$0xF000]  }
0x1d5: {  	v15 =	vmul.f32 v15, v18;
	v18 =	vld [tilespmem:$0x1FF50];
	v13 =	vadd.f32 v23, v13;
	v17 =	vmul.f32 v17, v17  }
0x1d6: {  	v61 =	vld [tilespmem:s21+$0xAE00]  }
0x1d7: {  	v13 =	vadd.f32 v17, v13;
	v17 =	vld [tilespmem:$0x1FF30]  }
0x1d8: {  	v40 =	vld [tilespmem:s21+$0xEE00]  }
0x1d9: {  	v42 =	vld [tilespmem:s21+$0xAC00];
	v15 =	vadd.f32 $2.000000000e+00, v15  }
0x1da: {  	v19 =	vimm.s32 $0x0;
	v12 =	vadd.f32 v18, v12;
	v18 =	vld [tilespmem:$0x1FF90]  }
0x1db: {  	v2 =	vshrl.u32 v2, $0x17;
	v8 =	vmul.f32 v15, v8;
	v15 =	vld [tilespmem:$0x1FDC0];
	v19 =	vsel vm15, $0x1, v19  }
0x1dc: {  	v2 =	vadd.s32 v19, v2;
	v12 =	vadd.f32 v17, v12;
	v17 =	vld [tilespmem:$0x1FF40]  }
0x1dd: {  	v41 =	vld [tilespmem:s21+$0xEC00];
	v2 =	vadd.s32 $0xFFFFFF81, v2  }
0x1de: {  	v59 =	vld [tilespmem:s21+$0xA800];
	v2 =	vcvt.s32.f32 v2  }
0x1df: {  	v58 =	vld [tilespmem:s21+$0xE800];
	v10 =	vadd.f32 v18, v10  }
0x1e0: {  	v15 =	vmul.f32 v15, v15;
	v19 =	vld [tilespmem:$0x1FFD0];
	v2 =	vmul.f32 $6.931471820e-01, v2  }
0x1e1: {  	v18 =	vld [tilespmem:$0x1FFB0];
	v10 =	vadd.f32 v17, v10;
	v17 =	vmul.f32 v11, v11  }
0x1e2: {  	v2 =	vadd.f32 v8, v2;
	v8 =	vadd.f32 v15, v13;
	v13 =	vld [tilespmem:$0x1FDA0]  }
0x1e3: {  	v10 =	vadd.f32 v17, v10;
	v17 =	vld [tilespmem:$0x1FFF0]  }
0x1e4: {  	v29 =	vld [tilespmem:s21+$0xA600]  }
0x1e5: {  	v31 =	vld [tilespmem:s21+$0xA400]  }
0x1e6: {  	v44 =	vld [tilespmem:s21+$0xE400]  }
0x1e7: {  	v35 =	vld [tilespmem:s21+$0xA200]  }
0x1e8: {  	v47 =	vld [tilespmem:s21+$0xE200];
	v18 =	vsub.f32 v18, v19;
	v13 =	vmul.f32 v13, v13;
	v2 =	vmul.f32 v2, v17  }
0x1e9: {  	v15 =	vld [tilespmem:$0x1FF10]  }
0x1ea: {  	v8 =	vadd.f32 v13, v8;
	v13 =	vmul.f32 v18, v18;
	v18 =	vadd.f32 $-1.000000000e+00, v2;
	v2 =	vld [tilespmem:$0x1FDB0]  }
0x1eb: {  	v1 =	vld [tilespmem:s21+$0xC200]  }
0x1ec: {  	v3 =	vld [tilespmem:s21+$0x10200]  }
0x1ed: {  	v4 =	vld [tilespmem:s21+$0xC000]  }
0x1ee: {  	v24 =	vld [tilespmem:$0x1FD50]  }
0x1ef: {  	v12 =	vadd.f32 v15, v12;
	v23 =	vmul.f32 v2, v2;
	v2 =	vld [tilespmem:$0x1FF80]  }
0x1f0: {  	v9 =	vld [tilespmem:s21+$0xFC00]  }
0x1f1: {  	v16 =	vld [tilespmem:s21+$0xBC00];
	v12 =	vsub.f32 $1.000000000e+00, v12;
	v10 =	vsub.f32 $1.000000000e+00, v10  }
0x1f2: {  	v7 =	vld [tilespmem:s21+$0x10000];
	[tilespmem:$0x1FEA0] =	vst v40;
	v15 =	vpop (erf)  }
0x1f3: {  	v50 =	vld [tilespmem:s21+$0xF800];
	[tilespmem:$0x1FE60] =	vst v39;
	v10 =	vmul.f32 v10, v12;
	v12 =	vmul.f32 v18, v15  }
0x1f4: {  	[tilespmem:$0x1FE20] =	vst v38;
	v8 =	vadd.f32 v13, v8;
	v13 =	vld [tilespmem:$0x1FD70];
	v2 =	vsub.f32 v24, v2  }
0x1f5: {  	v43 =	vmovc v1;
	v37 =	vmov v9;
	[tilespmem:$0x1FDE0] =	vst v36;
	(erf) = vrcp.f32 v10;
	v10 =	vmul.f32 v12, v18;
	v12 =	vld [tilespmem:$0x1FD80]  }
0x1f6: {  	v48 =	vmovc v0;
	v1 =	vmul.f32 v1, v43;
	v30 =	vmov v16;
	[tilespmem:$0x1FFD0] =	vst v37;
	v15 =	vmul.f32 v2, v2;
	v2 =	vld [tilespmem:$0x1FD60]  }
0x1f7: {  	v26 =	vld [tilespmem:s21+$0xDE00];
	v0 =	vmul.f32 v0, v48;
	v45 =	vmov v3;
	[tilespmem:$0x1FFB0] =	vst v30  }
0x1f8: {  	v56 =	vld [tilespmem:s21+$0xDC00];
	[tilespmem:$0x1FF30] =	vst v1;
	v1 =	vmul.f32 v3, v45  }
0x1f9: {  	v60 =	vld [tilespmem:s21+$0xDA00];
	v46 =	vmov v4;
	[tilespmem:$0x1FF10] =	vst v0;
	v0 =	vsub.f32 v20, v50  }
0x1fa: {  	v34 =	vld [tilespmem:s21+$0xCE00];
	[tilespmem:$0x1FF40] =	vst v1;
	v1 =	vmul.f32 v4, v46;
	v8 =	vadd.f32 v23, v8;
	v11 =	vsub.f32 v12, v11  }
0x1fb: {  	v52 =	vld [tilespmem:s21+$0xEA00];
	v28 =	vmov v7;
	[tilespmem:$0x1FDC0] =	vst v0;
	v12 =	vsub.f32 $1.000000000e+00, v5;
	v25 =	vsub.f32 v2, v13  }
0x1fc: {  	v6 =	vld [tilespmem:s21+$0xBE00];
	v4 =	vmul.f32 v9, v37;
	[tilespmem:$0x1FF50] =	vst v1;
	v1 =	vmul.f32 v7, v28  }
0x1fd: {  	(erf) = vrcp.f32 v5;
	[tilespmem:$0x1FD90] =	vst v12;
	v12 =	vld [tilespmem:$0x1FF20];
	v5 =	vadd.f32 v15, v8;
	v8 =	vmul.f32 v25, v25  }
0x1fe: {  	v62 =	vld [tilespmem:s21+$0xE600];
	[tilespmem:$0x1FFE0] =	vst v4;
	v4 =	vsub.f32 v61, v40  }
0x1ff: {  	v14 =	vld [tilespmem:s21+$0xFE00];
	v7 =	vmul.f32 v16, v30;
	[tilespmem:$0x1FF90] =	vst v1;
	v5 =	vadd.f32 v8, v5;
	v8 =	vmul.f32 v11, v11  }
0x200: {  	v57 =	vld [tilespmem:s21+$0xAA00];
	[tilespmem:$0x1FEB0] =	vst v4;
	v4 =	vmul.f32 v21, v21  }
0x201: {  	v54 =	vld [tilespmem:s21+$0xB000];
	[tilespmem:$0x1FFC0] =	vst v7;
	v1 =	vadd.f32 v8, v5  }
0x202: {  	v49 =	vld [tilespmem:s21+$0xB200];
	[tilespmem:$0x1FE50] =	vst v4;
	v15 =	vmul.f32 v6, v6;
	v12 =	vadd.f32 v10, v12  }
0x203: {  	v19 =	vld [tilespmem:s21+$0xE000];
	[tilespmem:$0x1FF80] =	vst v28;
	v10 =	vsub.f32 v22, v21;
	v1 =	vadd.f32 v1, v1  }
0x204: {  	v0 =	vld [tilespmem:s21+$0xD800];
	v3 =	vpop (erf);
	[tilespmem:$0x1FE00] =	vst v15  }
0x205: {  	v9 =	vld [tilespmem:s21+$0xD200];
	[tilespmem:$0x1FDA0] =	vst v10;
	v10 =	vsub.f32 v6, v14;
	v1 =	vmul.f32 v3, v1  }
0x206: {  	v16 =	vld [tilespmem:s21+$0xD400];
	[tilespmem:$0x1FF20] =	vst v12;
	v12 =	vmul.f32 v14, v14  }
0x207: {  	v30 =	vld [tilespmem:s21+$0x9000];
	[tilespmem:$0x1FDB0] =	vst v10;
	v55 =	vadd.f32 $1.000000000e+00, v1;
	v1 =	vsub.f32 v59, v58  }
0x208: {  	v40 =	vld [tilespmem:s21+$0xC600];
	v6 =	vsub.f32 v54, v39;
	[tilespmem:$0x1FE10] =	vst v12  }
0x209: {  	v17 =	vld [tilespmem:s21+$0xA000];
	[tilespmem:$0x1FF70] =	vst v1;
	v1 =	vsub.f32 v57, v52  }
0x20a: {  	v24 =	vld [tilespmem:s21+$0x9E00];
	v25 =	vsub.f32 v27, v36;
	[tilespmem:$0x1FE70] =	vst v6  }
0x20b: {  	v2 =	vld [tilespmem:s21+$0x9C00];
	[tilespmem:$0x1FFA0] =	vst v1;
	v1 =	vmul.f32 v27, v27  }
0x20c: {  	v13 =	vld [tilespmem:s21+$0x9A00];
	[tilespmem:$0x1FDF0] =	vst v25  }
0x20d: {  	v18 =	vld [tilespmem:s21+$0x9800];
	v3 =	vpop (erf);
	[tilespmem:$0x1FEE0] =	vst v1;
	v1 =	vsub.f32 v29, v62  }
0x20e: {  	v28 =	vld [tilespmem:s21+$0xD000];
	v21 =	vmul.f32 v26, v26;
	[tilespmem:$0x1FFF0] =	vst v3;
	v3 =	vsub.f32 v42, v41  }
0x20f: {  	v23 =	vld [tilespmem:s21+$0x9600];
	v63 =	vsub.f32 v24, v26;
	v14 =	vmul.f32 v19, v19;
	[tilespmem:$0x1FEF0] =	vst v1;
	v1 =	vmul.f32 v49, v49  }
0x210: {  	v15 =	vld [tilespmem:s21+$0xCC00];
	v10 =	vsub.f32 v51, v53;
	v4 =	vsub.f32 v2, v56;
	[tilespmem:$0x1FF60] =	vst v3;
	v3 =	vmul.f32 v20, v20  }
0x211: {  	v39 =	vld [tilespmem:s21+$0xCA00];
	v7 =	vsub.f32 v13, v60;
	v8 =	vsub.f32 v49, v38;
	[tilespmem:$0x1FF00] =	vst v1;
	v1 =	vmul.f32 v55, v55  }
0x212: {  	v36 =	vld [tilespmem:s21+$0x8C00];
	v5 =	vmul.f32 v22, v22;
	v22 =	vsub.f32 v18, v0;
	[tilespmem:$0x1FE80] =	vst v3;
	v3 =	vmul.f32 v50, v50  }
0x213: {  	v37 =	vmovc v58;
	v11 =	vld [tilespmem:s21+$0xD600];
	[tilespmem:$0x1FDD0] =	vst v10;
	v49 =	vmul.f32 v54, v54;
	v54 =	vmul.f32 v61, v61;
	v61 =	vadd.f32 $-1.000000000e+00, v1  }
0x214: {  	p0 =	sne.s32 s22, $0x7C0;
	v10 =	vld [tilespmem:s21+$0x9400];
	v58 =	vsub.f32 v35, v47;
	v20 =	vmul.f32 v24, v24;
	[tilespmem:$0x1FE90] =	vst v3;
	v3 =	vmul.f32 v51, v51  }
.Ltmp1:
0x215: {  	v32 =	vmovc v42;
	v12 =	vld [tilespmem:s21+$0x8E00];
	[tilespmem:$0x1FE40] =	vst v5;
	v51 =	vmovc v57;
	v57 =	vsub.f32 v31, v44;
	v5 =	vshrl.u32 v61, $0x1;
	v6 =	vmul.f32 $5.000000000e-01, v61;
	(pc) =	sbr.rel @p0 .LBB2_4-.Ltmp1, $4  }
0x216: {  	v33 =	vmovc v41;
	v25 =	vld [tilespmem:s21+$0x9200];
	[tilespmem:$0x1FEC0] =	vst v3;
	v3 =	vmul.f32 v53, v53;
	v1 =	vmul.f32 v31, v31;
	v31 =	vsub.s32 $0x5F3759DF, v5  }
0x217: {  	v38 =	vld [tilespmem:s21+$0x8A00];
	v53 =	vmovc v59;
	v59 =	vsub.f32 v17, v19;
	v5 =	vmul.f32 v17, v17;
	v17 =	vmul.f32 v31, v6  }
0x218: {  	[tilespmem:$0x1FE30] =	vst v8;
	v8 =	vld [tilespmem:s21+$0x8600];
	v50 =	vmovc v52;
	v52 =	vmov v62;
	v27 =	vsub.f32 v23, v11;
	v62 =	vmul.f32 v29, v29  }
0x219: {  	s22 =	sadd.s32 $0x40, s22;
	v41 =	vld [tilespmem:s21+$0x8800];
	v29 =	vsub.f32 v10, v16;
	[tilespmem:$0x1FED0] =	vst v3;
	v3 =	vmul.f32 v35, v35;
	v35 =	vmul.f32 v31, v17  }
0x21a: {  	_ =	sdelay $0x1  }
0x21b: {  	v17 =	vld [tilespmem:s21+$0xC800];
	_ =	sdelay $0x1  }
0x21c: {  	v19 =	vmul.f32 v8, v8;
	v24 =	vmul.f32 v41, v41;
	_ =	sdelay $0x1  }
0x21d: {  	v19 =	vadd.f32 v24, v19;
	v24 =	vmul.f32 v38, v38  }
0x21e: {  	v26 =	vmul.f32 v40, v40;
	v42 =	vmul.f32 v17, v17  }
0x21f: {  	v8 =	vsub.f32 v8, v40;
	v19 =	vadd.f32 v24, v19;
	v24 =	vmul.f32 v36, v36  }
0x220: {  	v17 =	vsub.f32 v41, v17;
	v26 =	vadd.f32 v42, v26;
	v42 =	vmul.f32 v39, v39  }
0x221: {  	v40 =	vmul.f32 v15, v15;
	v19 =	vadd.f32 v24, v19;
	v24 =	vmul.f32 v12, v12  }
0x222: {  	v8 =	vmul.f32 v8, v8;
	v17 =	vmul.f32 v17, v17;
	v26 =	vadd.f32 v42, v26  }
0x223: {  	v41 =	vmul.f32 v30, v30;
	v19 =	vadd.f32 v24, v19  }
0x224: {  	v8 =	vadd.f32 v17, v8;
	v26 =	vadd.f32 v40, v26  }
0x225: {  	v40 =	vmul.f32 v34, v34;
	v17 =	vadd.f32 v41, v19;
	v41 =	vmul.f32 v25, v25  }
0x226: {  	v10 =	vmul.f32 v10, v10;
	v16 =	vmul.f32 v16, v16;
	v38 =	vsub.f32 v38, v39  }
0x227: {  	v42 =	vmul.f32 v28, v28;
	v24 =	vadd.f32 v40, v26;
	v17 =	vadd.f32 v41, v17  }
0x228: {  	v39 =	vmul.f32 v38, v38;
	v38 =	vmul.f32 v23, v23;
	v40 =	vsub.f32 v36, v15  }
0x229: {  	v24 =	vadd.f32 v42, v24;
	v42 =	vmul.f32 v9, v9;
	v10 =	vadd.f32 v10, v17  }
0x22a: {  	v11 =	vmul.f32 v11, v11;
	v15 =	vmul.f32 v40, v40  }
0x22b: {  	v40 =	vmul.f32 v18, v18;
	v36 =	vadd.f32 v42, v24;
	v10 =	vadd.f32 v38, v10  }
0x22c: {  	v0 =	vmul.f32 v0, v0;
	v2 =	vmul.f32 v2, v2  }
0x22d: {  	v41 =	vmul.f32 v13, v13;
	v16 =	vadd.f32 v16, v36;
	v10 =	vadd.f32 v40, v10  }
0x22e: {  	v22 =	vmul.f32 v22, v22;
	v8 =	vadd.f32 v39, v8;
	v34 =	vsub.f32 v12, v34  }
0x22f: {  	v23 =	vmul.f32 v47, v47;
	v11 =	vadd.f32 v11, v16;
	v10 =	vadd.f32 v41, v10  }
0x230: {  	v26 =	vsub.f32 v30, v28;
	v12 =	vmul.f32 v34, v34;
	v8 =	vadd.f32 v15, v8  }
0x231: {  	v16 =	vmul.f32 v60, v60;
	v0 =	vadd.f32 v0, v11;
	v2 =	vadd.f32 v2, v10  }
0x232: {  	v39 =	vsub.f32 v25, v9;
	v42 =	vmul.f32 v26, v26;
	v8 =	vadd.f32 v12, v8  }
0x233: {  	v17 =	vmul.f32 v56, v56;
	v0 =	vadd.f32 v16, v0;
	v2 =	vadd.f32 v20, v2  }
0x234: {  	v28 =	vsub.f32 $1.500000000e+00, v35;
	v9 =	vmul.f32 v39, v39;
	v8 =	vadd.f32 v42, v8  }
0x235: {  	v30 =	vmul.f32 v63, v63;
	v0 =	vadd.f32 v17, v0;
	v2 =	vadd.f32 v5, v2  }
0x236: {  	v47 =	vld [tilespmem:$0x1FE60];
	v34 =	vmul.f32 v37, v37;
	v18 =	vmul.f32 v29, v29;
	v8 =	vadd.f32 v9, v8  }
0x237: {  	v35 =	vmul.f32 v51, v51;
	v51 =	vld [tilespmem:$0x1FF00];
	v0 =	vadd.f32 v21, v0;
	v2 =	vadd.f32 v3, v2  }
0x238: {  	v37 =	vmul.f32 v59, v59;
	v59 =	vld [tilespmem:$0x1FF60];
	v19 =	vmul.f32 v27, v27;
	v8 =	vadd.f32 v18, v8  }
0x239: {  	v63 =	vld [tilespmem:$0x1FE80];
	v25 =	vmul.f32 v44, v44;
	v0 =	vadd.f32 v14, v0;
	v1 =	vadd.f32 v1, v2  }
0x23a: {  	v27 =	vmul.f32 v52, v52;
	v44 =	vmul.f32 v57, v57;
	v52 =	vld [tilespmem:$0x1FF70];
	v8 =	vadd.f32 v19, v8  }
0x23b: {  	v57 =	vld [tilespmem:$0x1FFA0];
	v29 =	vmul.f32 v53, v53;
	v0 =	vadd.f32 v23, v0;
	v1 =	vadd.f32 v62, v1  }
0x23c: {  	v7 =	vmul.f32 v7, v7;
	v13 =	vld [tilespmem:$0x1FFC0];
	v8 =	vadd.f32 v22, v8  }
0x23d: {  	v15 =	vld [tilespmem:$0x1FDF0];
	v0 =	vadd.f32 v25, v0;
	v1 =	vadd.f32 v29, v1  }
0x23e: {  	v4 =	vmul.f32 v4, v4;
	v56 =	vld [tilespmem:$0x1FEE0];
	v36 =	vmul.f32 v50, v50;
	v24 =	vadd.f32 v7, v8  }
0x23f: {  	v50 =	vld [tilespmem:$0x1FE20];
	v38 =	vmul.f32 v32, v32;
	v0 =	vadd.f32 v27, v0;
	v1 =	vadd.f32 v35, v1  }
0x240: {  	v42 =	vld [tilespmem:$0x1FEA0];
	v26 =	vadd.f32 v4, v24;
	v4 =	vmul.f32 v31, v28  }
0x241: {  	v12 =	vld [tilespmem:$0x1FE30];
	v0 =	vadd.f32 v34, v0;
	v1 =	vadd.f32 v38, v1  }
0x242: {  	v32 =	vld [tilespmem:$0x1FFD0];
	v39 =	vmul.f32 v4, v6  }
0x243: {  	v60 =	vld [tilespmem:$0x1FED0];
	v40 =	vmul.f32 v33, v33;
	v0 =	vadd.f32 v36, v0;
	v1 =	vadd.f32 v54, v1  }
0x244: {  	v9 =	vld [tilespmem:$0x1FE70];
	v2 =	vadd.f32 v30, v26;
	v3 =	vmul.f32 v39, v4  }
0x245: {  	v7 =	vmul.f32 v42, v42;
	v0 =	vadd.f32 v40, v0;
	v1 =	vadd.f32 v49, v1;
	v49 =	vld [tilespmem:$0x1FEF0]  }
0x246: {  	v41 =	vmul.f32 v58, v58;
	v2 =	vadd.f32 v37, v2;
	v3 =	vsub.f32 $1.500000000e+00, v3;
	v54 =	vld [tilespmem:$0x1FDE0]  }
0x247: {  	v11 =	vld [tilespmem:$0x1FE50];
	v0 =	vadd.f32 v7, v0;
	v7 =	vmul.f32 v47, v47  }
0x248: {  	v58 =	vld [tilespmem:$0x1FEC0];
	v2 =	vadd.f32 v41, v2;
	v3 =	vmul.f32 v3, v4  }
0x249: {  	v16 =	vld [tilespmem:$0x1FE00];
	v4 =	vmul.f32 v50, v50;
	v0 =	vadd.f32 v7, v0  }
0x24a: {  	v18 =	vld [tilespmem:s21+$0x10400];
	v2 =	vadd.f32 v44, v2;
	v53 =	vmul.f32 v3, v6;
	v5 =	vmul.f32 v49, v49  }
0x24b: {  	v10 =	vld [tilespmem:$0x1FE40];
	v1 =	vadd.f32 v51, v1;
	v0 =	vadd.f32 v4, v0;
	v6 =	vmul.f32 v54, v54  }
0x24c: {  	v8 =	vld [tilespmem:$0x1FE90];
	v2 =	vadd.f32 v5, v2;
	v5 =	vmul.f32 v52, v52  }
0x24d: {  	v62 =	vld [tilespmem:$0x1FEB0];
	v1 =	vadd.f32 v56, v1;
	v0 =	vadd.f32 v6, v0  }
0x24e: {  	v17 =	vld [tilespmem:$0x1FE10];
	v4 =	vmul.f32 v53, v3;
	v2 =	vadd.f32 v5, v2;
	v5 =	vmul.f32 v57, v57  }
0x24f: {  	v19 =	vld [tilespmem:$0x1FDD0];
	v1 =	vadd.f32 v58, v1;
	v0 =	vadd.f32 v60, v0  }
0x250: {  	v14 =	vld [tilespmem:$0x1FFE0];
	v4 =	vsub.f32 $1.500000000e+00, v4;
	v2 =	vadd.f32 v5, v2;
	v5 =	vmul.f32 v59, v59  }
0x251: {  	v34 =	vld [tilespmem:$0x1FD90];
	v1 =	vadd.f32 v63, v1;
	v0 =	vadd.f32 v8, v0  }
0x252: {  	v20 =	vld [tilespmem:$0x1FF50];
	v2 =	vadd.f32 v5, v2;
	v5 =	vmul.f32 v62, v62  }
0x253: {  	v21 =	vld [tilespmem:$0x1FF90];
	v3 =	vmul.f32 v4, v3;
	v1 =	vadd.f32 v10, v1;
	v0 =	vadd.f32 v11, v0  }
0x254: {  	vm0 =	vgt.f32 v61, $0.0e+00;
	v24 =	vld [tilespmem:$0x1FDC0];
	v4 =	vmul.f32 v9, v9;
	v2 =	vadd.f32 v5, v2  }
0x255: {  	v25 =	vld [tilespmem:$0x1FF30];
	v3 =	vmul.f32 v3, v61;
	v1 =	vadd.f32 v13, v1;
	v0 =	vadd.f32 v14, v0  }
0x256: {  	v26 =	vld [tilespmem:$0x1FF40];
	v7 =	vadd.f32 v34, v34;
	v2 =	vadd.f32 v4, v2;
	v4 =	vmul.f32 v12, v12  }
0x257: {  	v31 =	vld [tilespmem:$0x1FFB0];
	v3 =	vnsel vm0, $0x0, v3;
	v1 =	vadd.f32 v16, v1;
	v0 =	vadd.f32 v17, v0  }
0x258: {  	v30 =	vld [tilespmem:$0x1FF10];
	v3 =	vadd.f32 v3, v55;
	v2 =	vadd.f32 v4, v2;
	v4 =	vmul.f32 v15, v15  }
0x259: {  	v28 =	vmul.f32 v18, v18;
	v29 =	vld [tilespmem:$0x1FDA0];
	v1 =	vadd.f32 v20, v1;
	v0 =	vadd.f32 v21, v0  }
0x25a: {  	v6 =	vmul.f32 v24, v24;
	v2 =	vadd.f32 v4, v2;
	v4 =	vmul.f32 v19, v19  }
0x25b: {  	v22 =	vand.u32 $0x7FFFFF, v3;
	v1 =	vadd.f32 v25, v1;
	v0 =	vadd.f32 v26, v0  }
0x25c: {  	v36 =	vld [tilespmem:$0x1FF80];
	v9 =	vsub.f32 v31, v32;
	v23 =	vor.u32 $0x3F800000, v22;
	v2 =	vadd.f32 v4, v2  }
0x25d: {  	v37 =	vld [tilespmem:$0x1FDB0];
	v27 =	vmul.f32 $5.000000000e-01, v23;
	v1 =	vadd.f32 v30, v1;
	v0 =	vadd.f32 v28, v0  }
0x25e: {  	v8 =	vmul.f32 v29, v29;
	vm14 =	vgt.f32 v23, $1.414213540e+00;
	v2 =	vadd.f32 v6, v2  }
0x25f: {  	v1 =	vsub.f32 $1.000000000e+00, v1;
	v4 =	vsel vm14, v27, v23;
	v0 =	vsub.f32 $1.000000000e+00, v0  }
0x260: {  	v35 =	vmul.f32 v9, v9;
	v33 =	vadd.f32 $1.000000000e+00, v4;
	v2 =	vadd.f32 v8, v2  }
0x261: {  	v7 =	vmul.f32 $1.442695020e+00, v7;
	v6 =	vsub.f32 v46, v36;
	v0 =	vmul.f32 v0, v1  }
0x262: {  	v1 =	vmul.f32 v37, v37;
	(erf) = vrcp.f32 v33;
	v2 =	vadd.f32 v35, v2  }
0x263: {  	v38 =	vsub.f32 v43, v45;
	(erf) = vpow2.f32 v7  }
0x264: {  	v6 =	vmul.f32 v6, v6;
	(erf) = vrcp.f32 v0;
	v1 =	vadd.f32 v1, v2;
	_ =	sdelay $0x1  }
0x265: {  	v39 =	vsub.f32 v48, v18;
	v40 =	vmul.f32 v38, v38;
	v1 =	vadd.f32 v6, v1;
	_ =	sdelay $0x1  }
0x266: {  	v0 =	vmul.f32 v39, v39;
	v1 =	vadd.f32 v40, v1;
	_ =	sdelay $0x1  }
0x267: {  	v0 =	vadd.f32 v0, v1  }
0x268: {  	v41 =	vpop (erf)  }
0x269: {  	v42 =	vpop (erf);
	v0 =	vadd.f32 v0, v0  }
0x26a: {  	v43 =	vpop (erf)  }
0x26b: {  	v0 =	vmul.f32 v43, v0;
	_ =	sdelay $0x1  }
0x26c: {  	v0 =	vadd.f32 $1.000000000e+00, v0;
	_ =	sdelay $0x1  }
0x26d: {  	v44 =	vmul.f32 v0, v0;
	_ =	sdelay $0x1  }
0x26e: {  	v5 =	vadd.f32 $-1.000000000e+00, v44;
	_ =	sdelay $0x1  }
0x26f: {  	v45 =	vshrl.u32 v5, $0x1;
	v46 =	vmul.f32 $5.000000000e-01, v5  }
0x270: {  	v6 =	vsub.s32 $0x5F3759DF, v45  }
0x271: {  	v47 =	vmul.f32 v6, v46;
	_ =	sdelay $0x1  }
0x272: {  	v8 =	vmul.f32 v6, v47;
	_ =	sdelay $0x1  }
0x273: {  	v8 =	vsub.f32 $1.500000000e+00, v8;
	_ =	sdelay $0x1  }
0x274: {  	v6 =	vmul.f32 v6, v8;
	_ =	sdelay $0x1  }
0x275: {  	v8 =	vmul.f32 v6, v46;
	_ =	sdelay $0x1  }
0x276: {  	v8 =	vmul.f32 v8, v6;
	_ =	sdelay $0x1  }
0x277: {  	v8 =	vsub.f32 $1.500000000e+00, v8;
	_ =	sdelay $0x1  }
0x278: {  	v6 =	vmul.f32 v8, v6;
	_ =	sdelay $0x1  }
0x279: {  	v7 =	vmul.f32 v6, v46;
	_ =	sdelay $0x1  }
0x27a: {  	v7 =	vmul.f32 v7, v6;
	_ =	sdelay $0x1  }
0x27b: {  	v7 =	vsub.f32 $1.500000000e+00, v7;
	_ =	sdelay $0x1  }
0x27c: {  	v6 =	vmul.f32 v7, v6;
	_ =	sdelay $0x1  }
0x27d: {  	v6 =	vmul.f32 v6, v5  }
0x27e: {  	vm1 =	vgt.f32 v5, $0.0e+00  }
0x27f: {  	v5 =	vnsel vm1, $0x0, v6  }
0x280: {  	v0 =	vadd.f32 v5, v0;
	_ =	sdelay $0x1  }
0x281: {  	v5 =	vand.u32 $0x7FFFFF, v0  }
0x282: {  	v48 =	vld [tilespmem:s21+$0x400];
	v5 =	vor.u32 $0x3F800000, v5  }
0x283: {  	v49 =	vmul.f32 $5.000000000e-01, v5  }
0x284: {  	vm15 =	vgt.f32 v5, $1.414213540e+00  }
0x285: {  	v5 =	vsel vm15, v49, v5  }
0x286: {  	v7 =	vadd.f32 $1.000000000e+00, v5  }
0x287: {  	(erf) = vrcp.f32 v48  }
0x288: {  	(erf) = vrcp.f32 v7;
	_ =	sdelay $0x4  }
0x289: {  	v4 =	vadd.f32 $-1.000000000e+00, v4;
	_ =	sdelay $0x1  }
0x28a: {  	v1 =	vmul.f32 v41, v4  }
0x28b: {  	v50 =	vpop (erf);
	v5 =	vadd.f32 $-1.000000000e+00, v5  }
0x28c: {  	v4 =	vmul.f32 v1, v1;
	v52 =	vpop (erf)  }
0x28d: {  	v5 =	vmul.f32 v52, v5  }
0x28e: {  	v51 =	vmul.f32 $2.222222240e-01, v4  }
0x28f: {  	v9 =	vmul.f32 v5, v5  }
0x290: {  	v8 =	vadd.f32 $2.857142980e-01, v51  }
0x291: {  	v53 =	vmul.f32 $2.222222240e-01, v9  }
0x292: {  	v8 =	vmul.f32 v8, v4  }
0x293: {  	v10 =	vadd.f32 $2.857142980e-01, v53  }
0x294: {  	v8 =	vadd.f32 $4.000000060e-01, v8  }
0x295: {  	v10 =	vmul.f32 v10, v9  }
0x296: {  	v8 =	vmul.f32 v8, v4  }
0x297: {  	v54 =	vimm.s32 $0x0;
	v10 =	vadd.f32 $4.000000060e-01, v10  }
0x298: {  	v3 =	vshrl.u32 v3, $0x17;
	v55 =	vsel vm14, $0x1, v54;
	v8 =	vadd.f32 $6.666666860e-01, v8  }
0x299: {  	v3 =	vadd.s32 v55, v3;
	v6 =	vsub.f32 $1.000000000e+00, v48;
	v10 =	vmul.f32 v10, v9  }
0x29a: {  	v3 =	vadd.s32 $0xFFFFFF81, v3;
	v4 =	vmul.f32 v8, v4  }
0x29b: {  	v3 =	vcvt.s32.f32 v3;
	v6 =	vadd.f32 v6, v6;
	v56 =	vadd.f32 $6.666666860e-01, v10  }
0x29c: {  	v4 =	vadd.f32 $2.000000000e+00, v4;
	v0 =	vshrl.u32 v0, $0x17;
	v57 =	vsel vm15, $0x1, v54  }
0x29d: {  	v6 =	vmul.f32 $1.442695020e+00, v6;
	v0 =	vadd.s32 v57, v0;
	v8 =	vmul.f32 v56, v9  }
0x29e: {  	v60 =	vld [tilespmem:$0x1FFF0];
	v3 =	vmul.f32 $6.931471820e-01, v3;
	v1 =	vmul.f32 v4, v1;
	v0 =	vadd.s32 $0xFFFFFF81, v0  }
0x29f: {  	v0 =	vcvt.s32.f32 v0;
	(erf) = vpow2.f32 v6;
	v58 =	vadd.f32 $2.000000000e+00, v8;
	_ =	sdelay $0x1  }
0x2a0: {  	v1 =	vadd.f32 v1, v3;
	v0 =	vmul.f32 $6.931471820e-01, v0;
	v59 =	vmul.f32 v58, v5;
	_ =	sdelay $0x1  }
0x2a1: {  	v1 =	vmul.f32 v1, v60;
	v0 =	vadd.f32 v59, v0;
	_ =	sdelay $0x1  }
0x2a2: {  	v1 =	vadd.f32 $-1.000000000e+00, v1;
	v0 =	vmul.f32 v0, v50  }
0x2a3: {  	v63 =	vld [tilespmem:$0x1FF20]  }
0x2a4: {  	v2 =	vmul.f32 v1, v42;
	v0 =	vadd.f32 $-1.000000000e+00, v0  }
0x2a5: {  	v61 =	vpop (erf)  }
0x2a6: {  	v1 =	vmul.f32 v2, v1;
	v62 =	vmul.f32 v0, v61;
	_ =	sdelay $0x1  }
0x2a7: {  	v1 =	vadd.f32 v1, v63;
	v0 =	vmul.f32 v62, v0;
	_ =	sdelay $0x1  }
0x2a8: {  	s20 =	sadd.s32 $0x1, s20;
	v0 =	vadd.f32 v0, v1  }
0x2a9: {  	p0 =	sne.s32 s20, s8  }
.Ltmp2:
0x2aa: {  	[tilespmem:$0x10600] =	vst v0;
	(pc) =	sbr.rel @p0 .LBB2_1-.Ltmp2, $4  }
0x2ab: {  	[hbm4b:s7+s2] =	stream.linear.scatter [tilespmem:s19], [sflag:$0x3], $0x10, $0x38;
	[tilespmem:$0x10610] =	vst v63  }
0x2ac: {  	_ =	swait.ge [sflag:s9], $0x10  }
0x2ad: {  	[sflag:s9] =	ssyncset.done $0x0  }
0x2ae: {  	[sflag:s9] =	ssyncadd.s32 $0xFFFFFFF0  }
0x2af: {  	_ =	sfence.sel $0x180000  }
0x2b0: {  	[bflag:$0x0] =	sbarrier.arrive $0xFFFF  }
0x2b1: {  	p0 =	sne.s32 s1, $0x0;
	_ =	strace $0x90000047  }
0x2b2: {  	s0 =	sadd.s32 @!p0 $0x100000, s0;
	[bflag:$0x2] =	sbarrier.arrive $0xFFFF  }
0x2b3: {  	[sflag:s0] =	ssyncadd.tile.s32 @!p0 $0x1;
	_ =	shalt  }
.Lfunc_end2:
_tile_overlayer_lowered:
.L_overlay_start_2:
0x2b4: {  	(tag) =	ssettag $0x2  }
0x2b5: {  	s0 =	rddreg [dreg:$0x0];
	s2 =	stileid.u32  }
0x2b6: {  	s1 =	rddreg [dreg:$0x1];
	p0 =	sne.s32 s2, $0x0  }
0x2b7: {  	s3 =	rddreg [dreg:$0x2];
	[bflag:$0x3] =	sbarrier.arrive $0xFFFF;
	s2 =	simm.s32 @!p0 $0x1C03  }
0x2b8: {  	[timem:s3], [sflag:s2] =	dma.local @!p0 [hbm:s0], s1  }
0x2b9: {  	s0 =	simm.s32 @!p0 $0x3  }
0x2ba: {  	_ =	swait.ge @!p0 [sflag:s0], s1  }
0x2bb: {  	s1 =	ssub.s32 @!p0 $0x0, s1;
	[sflag:s0] =	ssyncset.done @!p0 $0x0  }
0x2bc: {  	[sflag:s0] =	ssyncadd.s32 @!p0 s1  }
0x2bd: {  	[bflag:$0x3] =	sbarrier.arrive $0xFFFF  }
0x2be: {  	_ =	shalt  }

</sc_bundles>
